<compile_context>
chip_gen: v7x
topology: tpu7x:2x2x1
jax: 0.10.2.dev20260603
libtpu: 0.0.44.dev20260713+nightly
codegen_flags: <defaults>
</compile_context>

<pallas_src>
import jax
import jax.numpy as jnp
import numpy as np
from jax import lax
from jax.experimental import pallas as pl
from jax.experimental.pallas import tpu as pltpu
from jax.experimental.pallas import tpu_sc as plsc

PI = np.pi
X_MIN, X_N = 1e-05, 5000
SIGMA_MIN, SIGMA_MAX, SIGMA_N = 0.003, 2, 5000

N_ROWS = 1_000_000
COLP = 1 << 20
N_FLAT = 4 * COLP
CHUNK = 128
N_CHUNKS = N_FLAT // CHUNK
SUP = 16
SUP_ELEMS = SUP * CHUNK

XR_ROWS = N_FLAT // 128
SR_ROWS = COLP // 128
SBLOCKS = SR_ROWS // 256

NUM_CORES = 2
NUM_SUBCORES = 16
NUM_WORKERS = NUM_CORES * NUM_SUBCORES
CHUNKS_PER_WORKER = N_CHUNKS // NUM_WORKERS
PAIRS = CHUNKS_PER_WORKER // SUP // 2

_XA = np.log(X_MIN)
_XSCALE = np.float32(np.float32(X_N) / np.float32(0 - np.log(X_MIN)))
_SA = np.log(SIGMA_MIN)
_SSCALE = np.float32(
    np.float32(SIGMA_N) / np.float32(np.log(SIGMA_MAX) - np.log(SIGMA_MIN))
)


def _sigma_index_body(s_ref, si_ref):
    sb = s_ref[...]
    sl = jnp.log(sb / PI)
    si = (sl - _SA) * _SSCALE
    si = jnp.round(jnp.clip(si, 0, SIGMA_N)).astype(jnp.int32)
    si_ref[...] = si * (X_N + 1)


def _x_index_body(x_ref, si_ref, idx_ref, ns_ref):
    xb = x_ref[...]
    xw = (xb + PI) % (2 * PI) - PI
    sign = jnp.sign(xw)
    xl = jnp.log(jnp.abs(xw) / PI + 1e-10)
    xi = (xl - _XA) * _XSCALE
    xi = jnp.round(jnp.clip(xi, 0, X_N)).astype(jnp.int32)
    idx_ref[...] = si_ref[...] + xi
    ns_ref[...] = -sign


def _tc_indices(x, sigma):
    blk = 256
    sf = jnp.pad(sigma.reshape(-1), (0, COLP - N_ROWS)).reshape(SR_ROWS, 128)
    si2d = pl.pallas_call(
        _sigma_index_body,
        grid=(SR_ROWS // blk,),
        in_specs=[pl.BlockSpec((blk, 128), lambda i: (i, 0))],
        out_specs=pl.BlockSpec((blk, 128), lambda i: (i, 0)),
        out_shape=jax.ShapeDtypeStruct((SR_ROWS, 128), jnp.int32),
    )(sf)

    xt = jnp.pad(x.T, ((0, 0), (0, COLP - N_ROWS))).reshape(XR_ROWS, 128)
    idx2d, ns2d = pl.pallas_call(
        _x_index_body,
        grid=(XR_ROWS // blk,),
        in_specs=[
            pl.BlockSpec((blk, 128), lambda i: (i, 0)),
            pl.BlockSpec((blk, 128), lambda i: (i % SBLOCKS, 0)),
        ],
        out_specs=[
            pl.BlockSpec((blk, 128), lambda i: (i, 0)),
            pl.BlockSpec((blk, 128), lambda i: (i, 0)),
        ],
        out_shape=[
            jax.ShapeDtypeStruct((XR_ROWS, 128), jnp.int32),
            jax.ShapeDtypeStruct((XR_ROWS, 128), jnp.float32),
        ],
    )(xt, si2d)
    return idx2d, ns2d


def _sc_body(idx_hbm, ns_hbm, tbl_hbm, out_hbm,
             idx_a, idx_b, ns_a, ns_b, gth_a, gth_b,
             ssem_a, ssem_b, gsem_a, gsem_b, wsem_a, wsem_b):
    wid = lax.axis_index("s") * NUM_CORES + lax.axis_index("c")
    start = wid * SUP
    stride = NUM_WORKERS * SUP

    def stage(ibuf, nbuf, sem, chunk0):
        pltpu.async_copy(idx_hbm.at[pl.ds(chunk0 * CHUNK, SUP_ELEMS)], ibuf, sem)
        pltpu.async_copy(ns_hbm.at[pl.ds(chunk0, SUP)], nbuf, sem)

    def stage_wait(ibuf, nbuf, sem):
        pltpu.make_async_copy(idx_hbm.at[pl.ds(0, SUP_ELEMS)], ibuf, sem).wait()
        pltpu.make_async_copy(ns_hbm.at[pl.ds(0, SUP)], nbuf, sem).wait()

    def writeback(buf, sem, chunk0):
        pltpu.async_copy(buf, out_hbm.at[pl.ds(chunk0 * CHUNK, SUP_ELEMS)], sem)

    def writeback_wait(buf, sem):
        pltpu.make_async_copy(buf, out_hbm.at[pl.ds(0, SUP_ELEMS)], sem).wait()

    def fire(ibuf, gbuf, sem):
        return [pltpu.async_copy(tbl_hbm.at[ibuf], gbuf, sem)]

    def mul(gbuf, nbuf):
        def body(r, carry):
            for m in range(CHUNK // 16):
                sl = pl.ds(r * CHUNK + m * 16, 16)
                gbuf[sl] = gbuf[sl] * nbuf[r, pl.ds(m * 16, 16)]
            return carry

        lax.fori_loop(0, SUP, body, 0)

    stage(idx_a, ns_a, ssem_a, start)

    def pair_body(i, carry):
        c0 = start + (2 * i) * stride
        c1 = c0 + stride
        c2 = c0 + 2 * stride

        stage_wait(idx_a, ns_a, ssem_a)

        @pl.when(i > 0)
        def _():
            writeback_wait(gth_a, wsem_a)

        cps_a = fire(idx_a, gth_a, gsem_a)
        stage(idx_b, ns_b, ssem_b, c1)
        stage_wait(idx_b, ns_b, ssem_b)

        @pl.when(i > 0)
        def _():
            writeback_wait(gth_b, wsem_b)

        cps_b = fire(idx_b, gth_b, gsem_b)
        for cp in cps_a:
            cp.wait()
        mul(gth_a, ns_a)
        writeback(gth_a, wsem_a, c0)

        @pl.when(i < PAIRS - 1)
        def _():
            stage(idx_a, ns_a, ssem_a, c2)

        for cp in cps_b:
            cp.wait()
        mul(gth_b, ns_b)
        writeback(gth_b, wsem_b, c1)
        return carry

    lax.fori_loop(0, PAIRS, pair_body, 0)
    writeback_wait(gth_a, wsem_a)
    writeback_wait(gth_b, wsem_b)


def _sc_gather(idx2d, ns2d, tbl_f):
    mesh = plsc.VectorSubcoreMesh(core_axis_name="c", subcore_axis_name="s")
    return pl.kernel(
        _sc_body,
        out_type=jax.ShapeDtypeStruct((N_FLAT,), jnp.float32),
        mesh=mesh,
        scratch_types=[
            pltpu.VMEM((SUP_ELEMS,), jnp.int32),
            pltpu.VMEM((SUP_ELEMS,), jnp.int32),
            pltpu.VMEM((SUP, CHUNK), jnp.float32),
            pltpu.VMEM((SUP, CHUNK), jnp.float32),
            pltpu.VMEM((SUP_ELEMS,), jnp.float32),
            pltpu.VMEM((SUP_ELEMS,), jnp.float32),
            pltpu.SemaphoreType.DMA,
            pltpu.SemaphoreType.DMA,
            pltpu.SemaphoreType.DMA,
            pltpu.SemaphoreType.DMA,
            pltpu.SemaphoreType.DMA,
            pltpu.SemaphoreType.DMA,
        ],
    )(idx2d, ns2d, tbl_f)


def kernel(x, sigma, score_table):
    idx2d, ns2d = _tc_indices(x, sigma)
    tbl_f = score_table.reshape(-1)
    out_f = _sc_gather(idx2d.reshape(-1), ns2d, tbl_f)
    return out_f.reshape(4, COLP)[:, :N_ROWS].T

# --- scband reference (transcript-rebuilt; emitter-appended) ---
"""Pipeline reference for scband-so2-veschedule-12043088298460 (READ-ONLY COPY).

The authoritative reference and input builder live on the scoring server;
editing this copy changes nothing except your own understanding.
"""

import jax, jax.numpy as jnp
import numpy as np

PI = np.pi
X_MIN, X_N = 1e-05, 5000
SIGMA_MIN, SIGMA_MAX, SIGMA_N = 0.003, 2, 5000


def setup_inputs(seed: int = 0) -> dict:
    key = jax.random.key(seed)
    k1, k2, k3 = jax.random.split(key, 3)
    N = 1000000
    x = jax.random.normal(k1, (N, 4), dtype=jnp.float32)
    # sigma in the schedule's operating range [sigma_min, sigma_max] = [0.01*pi, pi]
    sigma = jax.random.uniform(k2, (N, 1), dtype=jnp.float32, minval=0.01 * np.pi, maxval=np.pi)
    # Precomputed score lookup table (the 'embedding table' of this module),
    # shape (SIGMA_N+1, X_N+1); materialized as a learned-parameter-like buffer.
    score_table = jax.random.normal(k3, (SIGMA_N + 1, X_N + 1), dtype=jnp.float32)
    return {"x": x, "sigma": sigma, "score_table": score_table}


def reference(x, sigma, score_table):
    # Faithful translation of SO2Schedule.score(x, sigma):
    # wrap angles to (-PI, PI]
    xw = (x + PI) % (2 * PI) - PI
    sign = jnp.sign(xw)
    # map |x| to log-spaced grid index
    xl = jnp.log(jnp.abs(xw) / PI + 1e-10)
    xi = (xl - np.log(X_MIN)) / (0 - np.log(X_MIN)) * X_N
    xi = jnp.round(jnp.clip(xi, 0, X_N)).astype(jnp.int32)
    # map sigma to log-spaced grid index
    sl = jnp.log(sigma / PI)
    si = (sl - np.log(SIGMA_MIN)) / (np.log(SIGMA_MAX) - np.log(SIGMA_MIN)) * SIGMA_N
    si = jnp.round(jnp.clip(si, 0, SIGMA_N)).astype(jnp.int32)
    # 2D gather (embedding lookup) with broadcasting: si [N,1] x xi [N,4] -> [N,4]
    return -sign * score_table[si, xi]

if __name__ == "__main__":
    import jax
    _d = setup_inputs()
    print(jax.jit(kernel)(*tuple(_d.values())))

</pallas_src>

<mosaic_0001>
#map = affine_map<(d0, d1) -> (0)>
#map1 = affine_map<(d0, d1) -> (0, 0)>
module attributes {stable_mosaic.version = 14 : i64} {
  func.func @_sc_body(%arg0: i32, %arg1: i32, %arg2: memref<4194304xi32, #tpu.memory_space<hbm>>, %arg3: memref<32768x128xf32, #tpu.memory_space<hbm>>, %arg4: memref<25010001xf32, #tpu.memory_space<hbm>>, %arg5: memref<4194304xf32, #tpu.memory_space<hbm>>, %arg6: memref<2048xi32, #tpu.memory_space<vmem>>, %arg7: memref<2048xi32, #tpu.memory_space<vmem>>, %arg8: memref<16x128xf32, #tpu.memory_space<vmem>>, %arg9: memref<16x128xf32, #tpu.memory_space<vmem>>, %arg10: memref<2048xf32, #tpu.memory_space<vmem>>, %arg11: memref<2048xf32, #tpu.memory_space<vmem>>, %arg12: memref<!tpu.dma_semaphore, #tpu.memory_space<semaphore_mem>>, %arg13: memref<!tpu.dma_semaphore, #tpu.memory_space<semaphore_mem>>, %arg14: memref<!tpu.dma_semaphore, #tpu.memory_space<semaphore_mem>>, %arg15: memref<!tpu.dma_semaphore, #tpu.memory_space<semaphore_mem>>, %arg16: memref<!tpu.dma_semaphore, #tpu.memory_space<semaphore_mem>>, %arg17: memref<!tpu.dma_semaphore, #tpu.memory_space<semaphore_mem>>) attributes {dimension_semantics = [#tpu.dimension_semantics<core_parallel>, #tpu.dimension_semantics<subcore_parallel>], iteration_bounds = array<i64: 2, 16>, scalar_prefetch = 0 : i64, scratch_operands = 12 : i64, tpu.core_type = #tpu.core_type<sc_vector_subcore>, window_params = [{transform_indices = #map}, {transform_indices = #map1}, {transform_indices = #map}, {transform_indices = #map}]} {
    %mul3A = arith.constant 2 : i32
    %mul3A_0 = arith.muli %arg1, %mul3A : i32
    %add3A = arith.addi %mul3A_0, %arg0 : i32
    %mul3A_1 = arith.constant 16 : i32
    %mul3A_2 = arith.muli %add3A, %mul3A_1 : i32
    %mul3A_3 = arith.constant 128 : i32
    %mul3A_4 = arith.muli %mul3A_2, %mul3A_3 : i32
    %dma_start3A = tpu.memref_slice %arg2[%mul3A_4] : memref<4194304xi32, #tpu.memory_space<hbm>> -> memref<2048xi32, #tpu.memory_space<hbm>>
    %dma_start3A_5 = tpu.memref_slice %arg2[%mul3A_4] : memref<4194304xi32, #tpu.memory_space<hbm>> -> memref<2048xi32, #tpu.memory_space<hbm>>
    tpu.enqueue_dma source(%dma_start3A_5 : memref<2048xi32, #tpu.memory_space<hbm>>) target(%arg6 : memref<2048xi32, #tpu.memory_space<vmem>>) target_semaphore(%arg12 : memref<!tpu.dma_semaphore, #tpu.memory_space<semaphore_mem>>)
    %dma_start3A_6 = arith.constant 0 : i32
    %dma_start3A_7 = tpu.memref_slice %arg3[%mul3A_2, %dma_start3A_6] : memref<32768x128xf32, #tpu.memory_space<hbm>> -> memref<16x128xf32, #tpu.memory_space<hbm>>
    %dma_start3A_8 = arith.constant 0 : i32
    %dma_start3A_9 = tpu.memref_slice %arg3[%mul3A_2, %dma_start3A_8] : memref<32768x128xf32, #tpu.memory_space<hbm>> -> memref<16x128xf32, #tpu.memory_space<hbm>>
    tpu.enqueue_dma source(%dma_start3A_9 : memref<16x128xf32, #tpu.memory_space<hbm>>) target(%arg8 : memref<16x128xf32, #tpu.memory_space<vmem>>) target_semaphore(%arg12 : memref<!tpu.dma_semaphore, #tpu.memory_space<semaphore_mem>>)
    %scan3A = arith.constant 0 : i32
    %scan3A_10 = arith.constant 0 : i32
    %scan3A_11 = arith.constant 32 : i32
    %scan3A_12 = arith.addi %scan3A_10, %scan3A_11 : i32
    %scan3A_13 = arith.constant 1 : i32
    scf.for %scan3A_22 = %scan3A_10 to %scan3A_12 step %scan3A_13  : i32 {
      %mul3A_23 = arith.constant 2 : i32
      %mul3A_24 = arith.muli %mul3A_23, %scan3A_22 : i32
      %mul3A_25 = arith.constant 512 : i32
      %mul3A_26 = arith.muli %mul3A_24, %mul3A_25 : i32
      %add3A_27 = arith.addi %mul3A_2, %mul3A_26 : i32
      %add3A_28 = arith.constant 512 : i32
      %add3A_29 = arith.addi %add3A_27, %add3A_28 : i32
      %add3A_30 = arith.constant 1024 : i32
      %add3A_31 = arith.addi %add3A_27, %add3A_30 : i32
      %dma_wait3A_32 = arith.constant 0 : i32
      %dma_wait3A_33 = tpu.memref_slice %arg2[%dma_wait3A_32] : memref<4194304xi32, #tpu.memory_space<hbm>> -> memref<2048xi32, #tpu.memory_space<hbm>>
      %dma_wait3A_34 = arith.constant 0 : i32
      %dma_wait3A_35 = tpu.memref_slice %arg2[%dma_wait3A_34] : memref<4194304xi32, #tpu.memory_space<hbm>> -> memref<2048xi32, #tpu.memory_space<hbm>>
      tpu.wait_dma2 semaphore(%arg12 : memref<!tpu.dma_semaphore, #tpu.memory_space<semaphore_mem>>) src(%dma_wait3A_35 : memref<2048xi32, #tpu.memory_space<hbm>>) dst(%arg6 : memref<2048xi32, #tpu.memory_space<vmem>>)
      %dma_wait3A_36 = arith.constant 0 : i32
      %dma_wait3A_37 = arith.constant 0 : i32
      %dma_wait3A_38 = tpu.memref_slice %arg3[%dma_wait3A_36, %dma_wait3A_37] : memref<32768x128xf32, #tpu.memory_space<hbm>> -> memref<16x128xf32, #tpu.memory_space<hbm>>
      %dma_wait3A_39 = arith.constant 0 : i32
      %dma_wait3A_40 = arith.constant 0 : i32
      %dma_wait3A_41 = tpu.memref_slice %arg3[%dma_wait3A_39, %dma_wait3A_40] : memref<32768x128xf32, #tpu.memory_space<hbm>> -> memref<16x128xf32, #tpu.memory_space<hbm>>
      tpu.wait_dma2 semaphore(%arg12 : memref<!tpu.dma_semaphore, #tpu.memory_space<semaphore_mem>>) src(%dma_wait3A_41 : memref<16x128xf32, #tpu.memory_space<hbm>>) dst(%arg8 : memref<16x128xf32, #tpu.memory_space<vmem>>)
      %gt3A = arith.constant 0 : i32
      %gt3A_42 = arith.cmpi sgt, %scan3A_22, %gt3A : i32
      %convert_element_type3A = arith.extui %gt3A_42 : i1 to i32
      %cond3A = arith.constant 0 : i32
      %cond3A_43 = arith.cmpi ne, %convert_element_type3A, %cond3A : i32
      scf.if %cond3A_43 {
        %dma_wait3A_99 = arith.constant 0 : i32
        %dma_wait3A_100 = tpu.memref_slice %arg5[%dma_wait3A_99] : memref<4194304xf32, #tpu.memory_space<hbm>> -> memref<2048xf32, #tpu.memory_space<hbm>>
        %dma_wait3A_101 = arith.constant 0 : i32
        %dma_wait3A_102 = tpu.memref_slice %arg5[%dma_wait3A_101] : memref<4194304xf32, #tpu.memory_space<hbm>> -> memref<2048xf32, #tpu.memory_space<hbm>>
        tpu.wait_dma2 semaphore(%arg16 : memref<!tpu.dma_semaphore, #tpu.memory_space<semaphore_mem>>) src(%arg10 : memref<2048xf32, #tpu.memory_space<vmem>>) dst(%dma_wait3A_102 : memref<2048xf32, #tpu.memory_space<hbm>>)
      } else {
      }
      %dma_start3A_44 = arith.constant 0 : i32
      %dma_start3A_45 = tpu.memref_slice %arg4[%dma_start3A_44] : memref<25010001xf32, #tpu.memory_space<hbm>> -> memref<25010001xf32, #tpu.memory_space<hbm>>
      tpu.enqueue_indirect_dma source(%dma_start3A_45 : memref<25010001xf32, #tpu.memory_space<hbm>>) target(%arg10 : memref<2048xf32, #tpu.memory_space<vmem>>) offsets(%arg6 : memref<2048xi32, #tpu.memory_space<vmem>>) semaphore(%arg14 : memref<!tpu.dma_semaphore, #tpu.memory_space<semaphore_mem>>)
      %mul3A_46 = arith.constant 128 : i32
      %mul3A_47 = arith.muli %add3A_29, %mul3A_46 : i32
      %dma_start3A_48 = tpu.memref_slice %arg2[%mul3A_47] : memref<4194304xi32, #tpu.memory_space<hbm>> -> memref<2048xi32, #tpu.memory_space<hbm>>
      %dma_start3A_49 = tpu.memref_slice %arg2[%mul3A_47] : memref<4194304xi32, #tpu.memory_space<hbm>> -> memref<2048xi32, #tpu.memory_space<hbm>>
      tpu.enqueue_dma source(%dma_start3A_49 : memref<2048xi32, #tpu.memory_space<hbm>>) target(%arg7 : memref<2048xi32, #tpu.memory_space<vmem>>) target_semaphore(%arg13 : memref<!tpu.dma_semaphore, #tpu.memory_space<semaphore_mem>>)
      %dma_start3A_50 = arith.constant 0 : i32
      %dma_start3A_51 = tpu.memref_slice %arg3[%add3A_29, %dma_start3A_50] : memref<32768x128xf32, #tpu.memory_space<hbm>> -> memref<16x128xf32, #tpu.memory_space<hbm>>
      %dma_start3A_52 = arith.constant 0 : i32
      %dma_start3A_53 = tpu.memref_slice %arg3[%add3A_29, %dma_start3A_52] : memref<32768x128xf32, #tpu.memory_space<hbm>> -> memref<16x128xf32, #tpu.memory_space<hbm>>
      tpu.enqueue_dma source(%dma_start3A_53 : memref<16x128xf32, #tpu.memory_space<hbm>>) target(%arg9 : memref<16x128xf32, #tpu.memory_space<vmem>>) target_semaphore(%arg13 : memref<!tpu.dma_semaphore, #tpu.memory_space<semaphore_mem>>)
      %dma_wait3A_54 = arith.constant 0 : i32
      %dma_wait3A_55 = tpu.memref_slice %arg2[%dma_wait3A_54] : memref<4194304xi32, #tpu.memory_space<hbm>> -> memref<2048xi32, #tpu.memory_space<hbm>>
      %dma_wait3A_56 = arith.constant 0 : i32
      %dma_wait3A_57 = tpu.memref_slice %arg2[%dma_wait3A_56] : memref<4194304xi32, #tpu.memory_space<hbm>> -> memref<2048xi32, #tpu.memory_space<hbm>>
      tpu.wait_dma2 semaphore(%arg13 : memref<!tpu.dma_semaphore, #tpu.memory_space<semaphore_mem>>) src(%dma_wait3A_57 : memref<2048xi32, #tpu.memory_space<hbm>>) dst(%arg7 : memref<2048xi32, #tpu.memory_space<vmem>>)
      %dma_wait3A_58 = arith.constant 0 : i32
      %dma_wait3A_59 = arith.constant 0 : i32
      %dma_wait3A_60 = tpu.memref_slice %arg3[%dma_wait3A_58, %dma_wait3A_59] : memref<32768x128xf32, #tpu.memory_space<hbm>> -> memref<16x128xf32, #tpu.memory_space<hbm>>
      %dma_wait3A_61 = arith.constant 0 : i32
      %dma_wait3A_62 = arith.constant 0 : i32
      %dma_wait3A_63 = tpu.memref_slice %arg3[%dma_wait3A_61, %dma_wait3A_62] : memref<32768x128xf32, #tpu.memory_space<hbm>> -> memref<16x128xf32, #tpu.memory_space<hbm>>
      tpu.wait_dma2 semaphore(%arg13 : memref<!tpu.dma_semaphore, #tpu.memory_space<semaphore_mem>>) src(%dma_wait3A_63 : memref<16x128xf32, #tpu.memory_space<hbm>>) dst(%arg9 : memref<16x128xf32, #tpu.memory_space<vmem>>)
      %gt3A_64 = arith.constant 0 : i32
      %gt3A_65 = arith.cmpi sgt, %scan3A_22, %gt3A_64 : i32
      %convert_element_type3A_66 = arith.extui %gt3A_65 : i1 to i32
      %cond3A_67 = arith.constant 0 : i32
      %cond3A_68 = arith.cmpi ne, %convert_element_type3A_66, %cond3A_67 : i32
      scf.if %cond3A_68 {
        %dma_wait3A_99 = arith.constant 0 : i32
        %dma_wait3A_100 = tpu.memref_slice %arg5[%dma_wait3A_99] : memref<4194304xf32, #tpu.memory_space<hbm>> -> memref<2048xf32, #tpu.memory_space<hbm>>
        %dma_wait3A_101 = arith.constant 0 : i32
        %dma_wait3A_102 = tpu.memref_slice %arg5[%dma_wait3A_101] : memref<4194304xf32, #tpu.memory_space<hbm>> -> memref<2048xf32, #tpu.memory_space<hbm>>
        tpu.wait_dma2 semaphore(%arg17 : memref<!tpu.dma_semaphore, #tpu.memory_space<semaphore_mem>>) src(%arg11 : memref<2048xf32, #tpu.memory_space<vmem>>) dst(%dma_wait3A_102 : memref<2048xf32, #tpu.memory_space<hbm>>)
      } else {
      }
      %dma_start3A_69 = arith.constant 0 : i32
      %dma_start3A_70 = tpu.memref_slice %arg4[%dma_start3A_69] : memref<25010001xf32, #tpu.memory_space<hbm>> -> memref<25010001xf32, #tpu.memory_space<hbm>>
      tpu.enqueue_indirect_dma source(%dma_start3A_70 : memref<25010001xf32, #tpu.memory_space<hbm>>) target(%arg11 : memref<2048xf32, #tpu.memory_space<vmem>>) offsets(%arg7 : memref<2048xi32, #tpu.memory_space<vmem>>) semaphore(%arg15 : memref<!tpu.dma_semaphore, #tpu.memory_space<semaphore_mem>>)
      %dma_wait3A_71 = arith.constant 0 : i32
      %dma_wait3A_72 = tpu.memref_slice %arg4[%dma_wait3A_71] : memref<25010001xf32, #tpu.memory_space<hbm>> -> memref<25010001xf32, #tpu.memory_space<hbm>>
      tpu.wait_indirect_dma semaphore(%arg14 : memref<!tpu.dma_semaphore, #tpu.memory_space<semaphore_mem>>) src(%dma_wait3A_72 : memref<25010001xf32, #tpu.memory_space<hbm>>) dst(%arg10 : memref<2048xf32, #tpu.memory_space<vmem>>)
      %scan3A_73 = arith.constant 0 : i32
      %scan3A_74 = arith.constant 0 : i32
      %scan3A_75 = arith.constant 16 : i32
      %scan3A_76 = arith.addi %scan3A_74, %scan3A_75 : i32
      %scan3A_77 = arith.constant 1 : i32
      scf.for %scan3A_99 = %scan3A_74 to %scan3A_76 step %scan3A_77  : i32 {
        %mul3A_100 = arith.constant 128 : i32
        %mul3A_101 = arith.muli %scan3A_99, %mul3A_100 : i32
        %add3A_102 = arith.constant 0 : i32
        %add3A_103 = arith.addi %mul3A_101, %add3A_102 : i32
        %get3A = arith.index_cast %add3A_103 : i32 to index
        %get3A_104 = tpu.vector_load %arg10[%get3A] {strides = array<i32>} : memref<2048xf32, #tpu.memory_space<vmem>>, vector<16xf32>,
        %get3A_105 = vector.shape_cast %get3A_104 : vector<16xf32> to vector<16xf32>
        %get3A_106 = arith.index_cast %scan3A_99 : i32 to index
        %get3A_107 = arith.constant 0 : index
        %get3A_108 = tpu.vector_load %arg8[%get3A_106, %get3A_107] {strides = array<i32>} : memref<16x128xf32, #tpu.memory_space<vmem>>, vector<1x16xf32>,
        %get3A_109 = vector.shape_cast %get3A_108 : vector<1x16xf32> to vector<16xf32>
        %mul3A_110 = arith.mulf %get3A_105, %get3A_109 : vector<16xf32>
        %swap3A = arith.index_cast %add3A_103 : i32 to index
        %swap3A_111 = tpu.vector_load %arg10[%swap3A] {strides = array<i32>} : memref<2048xf32, #tpu.memory_space<vmem>>, vector<16xf32>,
        %swap3A_112 = vector.shape_cast %swap3A_111 : vector<16xf32> to vector<16xf32>
        %swap3A_113 = vector.shape_cast %mul3A_110 : vector<16xf32> to vector<16xf32>
        tpu.vector_store %arg10[%swap3A], %swap3A_113 {strides = array<i32>} : memref<2048xf32, #tpu.memory_space<vmem>>, vector<16xf32>,
        %mul3A_114 = arith.constant 128 : i32
        %mul3A_115 = arith.muli %scan3A_99, %mul3A_114 : i32
        %add3A_116 = arith.constant 16 : i32
        %add3A_117 = arith.addi %mul3A_115, %add3A_116 : i32
        %get3A_118 = arith.index_cast %add3A_117 : i32 to index
        %get3A_119 = tpu.vector_load %arg10[%get3A_118] {strides = array<i32>} : memref<2048xf32, #tpu.memory_space<vmem>>, vector<16xf32>,
        %get3A_120 = vector.shape_cast %get3A_119 : vector<16xf32> to vector<16xf32>
        %get3A_121 = arith.index_cast %scan3A_99 : i32 to index
        %get3A_122 = arith.constant 16 : index
        %get3A_123 = tpu.vector_load %arg8[%get3A_121, %get3A_122] {strides = array<i32>} : memref<16x128xf32, #tpu.memory_space<vmem>>, vector<1x16xf32>,
        %get3A_124 = vector.shape_cast %get3A_123 : vector<1x16xf32> to vector<16xf32>
        %mul3A_125 = arith.mulf %get3A_120, %get3A_124 : vector<16xf32>
        %swap3A_126 = arith.index_cast %add3A_117 : i32 to index
        %swap3A_127 = tpu.vector_load %arg10[%swap3A_126] {strides = array<i32>} : memref<2048xf32, #tpu.memory_space<vmem>>, vector<16xf32>,
        %swap3A_128 = vector.shape_cast %swap3A_127 : vector<16xf32> to vector<16xf32>
        %swap3A_129 = vector.shape_cast %mul3A_125 : vector<16xf32> to vector<16xf32>
        tpu.vector_store %arg10[%swap3A_126], %swap3A_129 {strides = array<i32>} : memref<2048xf32, #tpu.memory_space<vmem>>, vector<16xf32>,
        %mul3A_130 = arith.constant 128 : i32
        %mul3A_131 = arith.muli %scan3A_99, %mul3A_130 : i32
        %add3A_132 = arith.constant 32 : i32
        %add3A_133 = arith.addi %mul3A_131, %add3A_132 : i32
        %get3A_134 = arith.index_cast %add3A_133 : i32 to index
        %get3A_135 = tpu.vector_load %arg10[%get3A_134] {strides = array<i32>} : memref<2048xf32, #tpu.memory_space<vmem>>, vector<16xf32>,
        %get3A_136 = vector.shape_cast %get3A_135 : vector<16xf32> to vector<16xf32>
        %get3A_137 = arith.index_cast %scan3A_99 : i32 to index
        %get3A_138 = arith.constant 32 : index
        %get3A_139 = tpu.vector_load %arg8[%get3A_137, %get3A_138] {strides = array<i32>} : memref<16x128xf32, #tpu.memory_space<vmem>>, vector<1x16xf32>,
        %get3A_140 = vector.shape_cast %get3A_139 : vector<1x16xf32> to vector<16xf32>
        %mul3A_141 = arith.mulf %get3A_136, %get3A_140 : vector<16xf32>
        %swap3A_142 = arith.index_cast %add3A_133 : i32 to index
        %swap3A_143 = tpu.vector_load %arg10[%swap3A_142] {strides = array<i32>} : memref<2048xf32, #tpu.memory_space<vmem>>, vector<16xf32>,
        %swap3A_144 = vector.shape_cast %swap3A_143 : vector<16xf32> to vector<16xf32>
        %swap3A_145 = vector.shape_cast %mul3A_141 : vector<16xf32> to vector<16xf32>
        tpu.vector_store %arg10[%swap3A_142], %swap3A_145 {strides = array<i32>} : memref<2048xf32, #tpu.memory_space<vmem>>, vector<16xf32>,
        %mul3A_146 = arith.constant 128 : i32
        %mul3A_147 = arith.muli %scan3A_99, %mul3A_146 : i32
        %add3A_148 = arith.constant 48 : i32
        %add3A_149 = arith.addi %mul3A_147, %add3A_148 : i32
        %get3A_150 = arith.index_cast %add3A_149 : i32 to index
        %get3A_151 = tpu.vector_load %arg10[%get3A_150] {strides = array<i32>} : memref<2048xf32, #tpu.memory_space<vmem>>, vector<16xf32>,
        %get3A_152 = vector.shape_cast %get3A_151 : vector<16xf32> to vector<16xf32>
        %get3A_153 = arith.index_cast %scan3A_99 : i32 to index
        %get3A_154 = arith.constant 48 : index
        %get3A_155 = tpu.vector_load %arg8[%get3A_153, %get3A_154] {strides = array<i32>} : memref<16x128xf32, #tpu.memory_space<vmem>>, vector<1x16xf32>,
        %get3A_156 = vector.shape_cast %get3A_155 : vector<1x16xf32> to vector<16xf32>
        %mul3A_157 = arith.mulf %get3A_152, %get3A_156 : vector<16xf32>
        %swap3A_158 = arith.index_cast %add3A_149 : i32 to index
        %swap3A_159 = tpu.vector_load %arg10[%swap3A_158] {strides = array<i32>} : memref<2048xf32, #tpu.memory_space<vmem>>, vector<16xf32>,
        %swap3A_160 = vector.shape_cast %swap3A_159 : vector<16xf32> to vector<16xf32>
        %swap3A_161 = vector.shape_cast %mul3A_157 : vector<16xf32> to vector<16xf32>
        tpu.vector_store %arg10[%swap3A_158], %swap3A_161 {strides = array<i32>} : memref<2048xf32, #tpu.memory_space<vmem>>, vector<16xf32>,
        %mul3A_162 = arith.constant 128 : i32
        %mul3A_163 = arith.muli %scan3A_99, %mul3A_162 : i32
        %add3A_164 = arith.constant 64 : i32
        %add3A_165 = arith.addi %mul3A_163, %add3A_164 : i32
        %get3A_166 = arith.index_cast %add3A_165 : i32 to index
        %get3A_167 = tpu.vector_load %arg10[%get3A_166] {strides = array<i32>} : memref<2048xf32, #tpu.memory_space<vmem>>, vector<16xf32>,
        %get3A_168 = vector.shape_cast %get3A_167 : vector<16xf32> to vector<16xf32>
        %get3A_169 = arith.index_cast %scan3A_99 : i32 to index
        %get3A_170 = arith.constant 64 : index
        %get3A_171 = tpu.vector_load %arg8[%get3A_169, %get3A_170] {strides = array<i32>} : memref<16x128xf32, #tpu.memory_space<vmem>>, vector<1x16xf32>,
        %get3A_172 = vector.shape_cast %get3A_171 : vector<1x16xf32> to vector<16xf32>
        %mul3A_173 = arith.mulf %get3A_168, %get3A_172 : vector<16xf32>
        %swap3A_174 = arith.index_cast %add3A_165 : i32 to index
        %swap3A_175 = tpu.vector_load %arg10[%swap3A_174] {strides = array<i32>} : memref<2048xf32, #tpu.memory_space<vmem>>, vector<16xf32>,
        %swap3A_176 = vector.shape_cast %swap3A_175 : vector<16xf32> to vector<16xf32>
        %swap3A_177 = vector.shape_cast %mul3A_173 : vector<16xf32> to vector<16xf32>
        tpu.vector_store %arg10[%swap3A_174], %swap3A_177 {strides = array<i32>} : memref<2048xf32, #tpu.memory_space<vmem>>, vector<16xf32>,
        %mul3A_178 = arith.constant 128 : i32
        %mul3A_179 = arith.muli %scan3A_99, %mul3A_178 : i32
        %add3A_180 = arith.constant 80 : i32
        %add3A_181 = arith.addi %mul3A_179, %add3A_180 : i32
        %get3A_182 = arith.index_cast %add3A_181 : i32 to index
        %get3A_183 = tpu.vector_load %arg10[%get3A_182] {strides = array<i32>} : memref<2048xf32, #tpu.memory_space<vmem>>, vector<16xf32>,
        %get3A_184 = vector.shape_cast %get3A_183 : vector<16xf32> to vector<16xf32>
        %get3A_185 = arith.index_cast %scan3A_99 : i32 to index
        %get3A_186 = arith.constant 80 : index
        %get3A_187 = tpu.vector_load %arg8[%get3A_185, %get3A_186] {strides = array<i32>} : memref<16x128xf32, #tpu.memory_space<vmem>>, vector<1x16xf32>,
        %get3A_188 = vector.shape_cast %get3A_187 : vector<1x16xf32> to vector<16xf32>
        %mul3A_189 = arith.mulf %get3A_184, %get3A_188 : vector<16xf32>
        %swap3A_190 = arith.index_cast %add3A_181 : i32 to index
        %swap3A_191 = tpu.vector_load %arg10[%swap3A_190] {strides = array<i32>} : memref<2048xf32, #tpu.memory_space<vmem>>, vector<16xf32>,
        %swap3A_192 = vector.shape_cast %swap3A_191 : vector<16xf32> to vector<16xf32>
        %swap3A_193 = vector.shape_cast %mul3A_189 : vector<16xf32> to vector<16xf32>
        tpu.vector_store %arg10[%swap3A_190], %swap3A_193 {strides = array<i32>} : memref<2048xf32, #tpu.memory_space<vmem>>, vector<16xf32>,
        %mul3A_194 = arith.constant 128 : i32
        %mul3A_195 = arith.muli %scan3A_99, %mul3A_194 : i32
        %add3A_196 = arith.constant 96 : i32
        %add3A_197 = arith.addi %mul3A_195, %add3A_196 : i32
        %get3A_198 = arith.index_cast %add3A_197 : i32 to index
        %get3A_199 = tpu.vector_load %arg10[%get3A_198] {strides = array<i32>} : memref<2048xf32, #tpu.memory_space<vmem>>, vector<16xf32>,
        %get3A_200 = vector.shape_cast %get3A_199 : vector<16xf32> to vector<16xf32>
        %get3A_201 = arith.index_cast %scan3A_99 : i32 to index
        %get3A_202 = arith.constant 96 : index
        %get3A_203 = tpu.vector_load %arg8[%get3A_201, %get3A_202] {strides = array<i32>} : memref<16x128xf32, #tpu.memory_space<vmem>>, vector<1x16xf32>,
        %get3A_204 = vector.shape_cast %get3A_203 : vector<1x16xf32> to vector<16xf32>
        %mul3A_205 = arith.mulf %get3A_200, %get3A_204 : vector<16xf32>
        %swap3A_206 = arith.index_cast %add3A_197 : i32 to index
        %swap3A_207 = tpu.vector_load %arg10[%swap3A_206] {strides = array<i32>} : memref<2048xf32, #tpu.memory_space<vmem>>, vector<16xf32>,
        %swap3A_208 = vector.shape_cast %swap3A_207 : vector<16xf32> to vector<16xf32>
        %swap3A_209 = vector.shape_cast %mul3A_205 : vector<16xf32> to vector<16xf32>
        tpu.vector_store %arg10[%swap3A_206], %swap3A_209 {strides = array<i32>} : memref<2048xf32, #tpu.memory_space<vmem>>, vector<16xf32>,
        %mul3A_210 = arith.constant 128 : i32
        %mul3A_211 = arith.muli %scan3A_99, %mul3A_210 : i32
        %add3A_212 = arith.constant 112 : i32
        %add3A_213 = arith.addi %mul3A_211, %add3A_212 : i32
        %get3A_214 = arith.index_cast %add3A_213 : i32 to index
        %get3A_215 = tpu.vector_load %arg10[%get3A_214] {strides = array<i32>} : memref<2048xf32, #tpu.memory_space<vmem>>, vector<16xf32>,
        %get3A_216 = vector.shape_cast %get3A_215 : vector<16xf32> to vector<16xf32>
        %get3A_217 = arith.index_cast %scan3A_99 : i32 to index
        %get3A_218 = arith.constant 112 : index
        %get3A_219 = tpu.vector_load %arg8[%get3A_217, %get3A_218] {strides = array<i32>} : memref<16x128xf32, #tpu.memory_space<vmem>>, vector<1x16xf32>,
        %get3A_220 = vector.shape_cast %get3A_219 : vector<1x16xf32> to vector<16xf32>
        %mul3A_221 = arith.mulf %get3A_216, %get3A_220 : vector<16xf32>
        %swap3A_222 = arith.index_cast %add3A_213 : i32 to index
        %swap3A_223 = tpu.vector_load %arg10[%swap3A_222] {strides = array<i32>} : memref<2048xf32, #tpu.memory_space<vmem>>, vector<16xf32>,
        %swap3A_224 = vector.shape_cast %swap3A_223 : vector<16xf32> to vector<16xf32>
        %swap3A_225 = vector.shape_cast %mul3A_221 : vector<16xf32> to vector<16xf32>
        tpu.vector_store %arg10[%swap3A_222], %swap3A_225 {strides = array<i32>} : memref<2048xf32, #tpu.memory_space<vmem>>, vector<16xf32>,
      }
      %scan3A_78 = arith.constant 16 : i32
      %mul3A_79 = arith.constant 128 : i32
      %mul3A_80 = arith.muli %add3A_27, %mul3A_79 : i32
      %dma_start3A_81 = tpu.memref_slice %arg5[%mul3A_80] : memref<4194304xf32, #tpu.memory_space<hbm>> -> memref<2048xf32, #tpu.memory_space<hbm>>
      %dma_start3A_82 = tpu.memref_slice %arg5[%mul3A_80] : memref<4194304xf32, #tpu.memory_space<hbm>> -> memref<2048xf32, #tpu.memory_space<hbm>>
      tpu.enqueue_dma source(%arg10 : memref<2048xf32, #tpu.memory_space<vmem>>) target(%dma_start3A_82 : memref<2048xf32, #tpu.memory_space<hbm>>) target_semaphore(%arg16 : memref<!tpu.dma_semaphore, #tpu.memory_space<semaphore_mem>>)
      %lt3A = arith.constant 31 : i32
      %lt3A_83 = arith.cmpi slt, %scan3A_22, %lt3A : i32
      %convert_element_type3A_84 = arith.extui %lt3A_83 : i1 to i32
      %cond3A_85 = arith.constant 0 : i32
      %cond3A_86 = arith.cmpi ne, %convert_element_type3A_84, %cond3A_85 : i32
      scf.if %cond3A_86 {
        %mul3A_99 = arith.constant 128 : i32
        %mul3A_100 = arith.muli %add3A_31, %mul3A_99 : i32
        %dma_start3A_101 = tpu.memref_slice %arg2[%mul3A_100] : memref<4194304xi32, #tpu.memory_space<hbm>> -> memref<2048xi32, #tpu.memory_space<hbm>>
        %dma_start3A_102 = tpu.memref_slice %arg2[%mul3A_100] : memref<4194304xi32, #tpu.memory_space<hbm>> -> memref<2048xi32, #tpu.memory_space<hbm>>
        tpu.enqueue_dma source(%dma_start3A_102 : memref<2048xi32, #tpu.memory_space<hbm>>) target(%arg6 : memref<2048xi32, #tpu.memory_space<vmem>>) target_semaphore(%arg12 : memref<!tpu.dma_semaphore, #tpu.memory_space<semaphore_mem>>)
        %dma_start3A_103 = arith.constant 0 : i32
        %dma_start3A_104 = tpu.memref_slice %arg3[%add3A_31, %dma_start3A_103] : memref<32768x128xf32, #tpu.memory_space<hbm>> -> memref<16x128xf32, #tpu.memory_space<hbm>>
        %dma_start3A_105 = arith.constant 0 : i32
        %dma_start3A_106 = tpu.memref_slice %arg3[%add3A_31, %dma_start3A_105] : memref<32768x128xf32, #tpu.memory_space<hbm>> -> memref<16x128xf32, #tpu.memory_space<hbm>>
        tpu.enqueue_dma source(%dma_start3A_106 : memref<16x128xf32, #tpu.memory_space<hbm>>) target(%arg8 : memref<16x128xf32, #tpu.memory_space<vmem>>) target_semaphore(%arg12 : memref<!tpu.dma_semaphore, #tpu.memory_space<semaphore_mem>>)
      } else {
      }
      %dma_wait3A_87 = arith.constant 0 : i32
      %dma_wait3A_88 = tpu.memref_slice %arg4[%dma_wait3A_87] : memref<25010001xf32, #tpu.memory_space<hbm>> -> memref<25010001xf32, #tpu.memory_space<hbm>>
      tpu.wait_indirect_dma semaphore(%arg15 : memref<!tpu.dma_semaphore, #tpu.memory_space<semaphore_mem>>) src(%dma_wait3A_88 : memref<25010001xf32, #tpu.memory_space<hbm>>) dst(%arg11 : memref<2048xf32, #tpu.memory_space<vmem>>)
      %scan3A_89 = arith.constant 0 : i32
      %scan3A_90 = arith.constant 0 : i32
      %scan3A_91 = arith.constant 16 : i32
      %scan3A_92 = arith.addi %scan3A_90, %scan3A_91 : i32
      %scan3A_93 = arith.constant 1 : i32
      scf.for %scan3A_99 = %scan3A_90 to %scan3A_92 step %scan3A_93  : i32 {
        %mul3A_100 = arith.constant 128 : i32
        %mul3A_101 = arith.muli %scan3A_99, %mul3A_100 : i32
        %add3A_102 = arith.constant 0 : i32
        %add3A_103 = arith.addi %mul3A_101, %add3A_102 : i32
        %get3A = arith.index_cast %add3A_103 : i32 to index
        %get3A_104 = tpu.vector_load %arg11[%get3A] {strides = array<i32>} : memref<2048xf32, #tpu.memory_space<vmem>>, vector<16xf32>,
        %get3A_105 = vector.shape_cast %get3A_104 : vector<16xf32> to vector<16xf32>
        %get3A_106 = arith.index_cast %scan3A_99 : i32 to index
        %get3A_107 = arith.constant 0 : index
        %get3A_108 = tpu.vector_load %arg9[%get3A_106, %get3A_107] {strides = array<i32>} : memref<16x128xf32, #tpu.memory_space<vmem>>, vector<1x16xf32>,
        %get3A_109 = vector.shape_cast %get3A_108 : vector<1x16xf32> to vector<16xf32>
        %mul3A_110 = arith.mulf %get3A_105, %get3A_109 : vector<16xf32>
        %swap3A = arith.index_cast %add3A_103 : i32 to index
        %swap3A_111 = tpu.vector_load %arg11[%swap3A] {strides = array<i32>} : memref<2048xf32, #tpu.memory_space<vmem>>, vector<16xf32>,
        %swap3A_112 = vector.shape_cast %swap3A_111 : vector<16xf32> to vector<16xf32>
        %swap3A_113 = vector.shape_cast %mul3A_110 : vector<16xf32> to vector<16xf32>
        tpu.vector_store %arg11[%swap3A], %swap3A_113 {strides = array<i32>} : memref<2048xf32, #tpu.memory_space<vmem>>, vector<16xf32>,
        %mul3A_114 = arith.constant 128 : i32
        %mul3A_115 = arith.muli %scan3A_99, %mul3A_114 : i32
        %add3A_116 = arith.constant 16 : i32
        %add3A_117 = arith.addi %mul3A_115, %add3A_116 : i32
        %get3A_118 = arith.index_cast %add3A_117 : i32 to index
        %get3A_119 = tpu.vector_load %arg11[%get3A_118] {strides = array<i32>} : memref<2048xf32, #tpu.memory_space<vmem>>, vector<16xf32>,
        %get3A_120 = vector.shape_cast %get3A_119 : vector<16xf32> to vector<16xf32>
        %get3A_121 = arith.index_cast %scan3A_99 : i32 to index
        %get3A_122 = arith.constant 16 : index
        %get3A_123 = tpu.vector_load %arg9[%get3A_121, %get3A_122] {strides = array<i32>} : memref<16x128xf32, #tpu.memory_space<vmem>>, vector<1x16xf32>,
        %get3A_124 = vector.shape_cast %get3A_123 : vector<1x16xf32> to vector<16xf32>
        %mul3A_125 = arith.mulf %get3A_120, %get3A_124 : vector<16xf32>
        %swap3A_126 = arith.index_cast %add3A_117 : i32 to index
        %swap3A_127 = tpu.vector_load %arg11[%swap3A_126] {strides = array<i32>} : memref<2048xf32, #tpu.memory_space<vmem>>, vector<16xf32>,
        %swap3A_128 = vector.shape_cast %swap3A_127 : vector<16xf32> to vector<16xf32>
        %swap3A_129 = vector.shape_cast %mul3A_125 : vector<16xf32> to vector<16xf32>
        tpu.vector_store %arg11[%swap3A_126], %swap3A_129 {strides = array<i32>} : memref<2048xf32, #tpu.memory_space<vmem>>, vector<16xf32>,
        %mul3A_130 = arith.constant 128 : i32
        %mul3A_131 = arith.muli %scan3A_99, %mul3A_130 : i32
        %add3A_132 = arith.constant 32 : i32
        %add3A_133 = arith.addi %mul3A_131, %add3A_132 : i32
        %get3A_134 = arith.index_cast %add3A_133 : i32 to index
        %get3A_135 = tpu.vector_load %arg11[%get3A_134] {strides = array<i32>} : memref<2048xf32, #tpu.memory_space<vmem>>, vector<16xf32>,
        %get3A_136 = vector.shape_cast %get3A_135 : vector<16xf32> to vector<16xf32>
        %get3A_137 = arith.index_cast %scan3A_99 : i32 to index
        %get3A_138 = arith.constant 32 : index
        %get3A_139 = tpu.vector_load %arg9[%get3A_137, %get3A_138] {strides = array<i32>} : memref<16x128xf32, #tpu.memory_space<vmem>>, vector<1x16xf32>,
        %get3A_140 = vector.shape_cast %get3A_139 : vector<1x16xf32> to vector<16xf32>
        %mul3A_141 = arith.mulf %get3A_136, %get3A_140 : vector<16xf32>
        %swap3A_142 = arith.index_cast %add3A_133 : i32 to index
        %swap3A_143 = tpu.vector_load %arg11[%swap3A_142] {strides = array<i32>} : memref<2048xf32, #tpu.memory_space<vmem>>, vector<16xf32>,
        %swap3A_144 = vector.shape_cast %swap3A_143 : vector<16xf32> to vector<16xf32>
        %swap3A_145 = vector.shape_cast %mul3A_141 : vector<16xf32> to vector<16xf32>
        tpu.vector_store %arg11[%swap3A_142], %swap3A_145 {strides = array<i32>} : memref<2048xf32, #tpu.memory_space<vmem>>, vector<16xf32>,
        %mul3A_146 = arith.constant 128 : i32
        %mul3A_147 = arith.muli %scan3A_99, %mul3A_146 : i32
        %add3A_148 = arith.constant 48 : i32
        %add3A_149 = arith.addi %mul3A_147, %add3A_148 : i32
        %get3A_150 = arith.index_cast %add3A_149 : i32 to index
        %get3A_151 = tpu.vector_load %arg11[%get3A_150] {strides = array<i32>} : memref<2048xf32, #tpu.memory_space<vmem>>, vector<16xf32>,
        %get3A_152 = vector.shape_cast %get3A_151 : vector<16xf32> to vector<16xf32>
        %get3A_153 = arith.index_cast %scan3A_99 : i32 to index
        %get3A_154 = arith.constant 48 : index
        %get3A_155 = tpu.vector_load %arg9[%get3A_153, %get3A_154] {strides = array<i32>} : memref<16x128xf32, #tpu.memory_space<vmem>>, vector<1x16xf32>,
        %get3A_156 = vector.shape_cast %get3A_155 : vector<1x16xf32> to vector<16xf32>
        %mul3A_157 = arith.mulf %get3A_152, %get3A_156 : vector<16xf32>
        %swap3A_158 = arith.index_cast %add3A_149 : i32 to index
        %swap3A_159 = tpu.vector_load %arg11[%swap3A_158] {strides = array<i32>} : memref<2048xf32, #tpu.memory_space<vmem>>, vector<16xf32>,
        %swap3A_160 = vector.shape_cast %swap3A_159 : vector<16xf32> to vector<16xf32>
        %swap3A_161 = vector.shape_cast %mul3A_157 : vector<16xf32> to vector<16xf32>
        tpu.vector_store %arg11[%swap3A_158], %swap3A_161 {strides = array<i32>} : memref<2048xf32, #tpu.memory_space<vmem>>, vector<16xf32>,
        %mul3A_162 = arith.constant 128 : i32
        %mul3A_163 = arith.muli %scan3A_99, %mul3A_162 : i32
        %add3A_164 = arith.constant 64 : i32
        %add3A_165 = arith.addi %mul3A_163, %add3A_164 : i32
        %get3A_166 = arith.index_cast %add3A_165 : i32 to index
        %get3A_167 = tpu.vector_load %arg11[%get3A_166] {strides = array<i32>} : memref<2048xf32, #tpu.memory_space<vmem>>, vector<16xf32>,
        %get3A_168 = vector.shape_cast %get3A_167 : vector<16xf32> to vector<16xf32>
        %get3A_169 = arith.index_cast %scan3A_99 : i32 to index
        %get3A_170 = arith.constant 64 : index
        %get3A_171 = tpu.vector_load %arg9[%get3A_169, %get3A_170] {strides = array<i32>} : memref<16x128xf32, #tpu.memory_space<vmem>>, vector<1x16xf32>,
        %get3A_172 = vector.shape_cast %get3A_171 : vector<1x16xf32> to vector<16xf32>
        %mul3A_173 = arith.mulf %get3A_168, %get3A_172 : vector<16xf32>
        %swap3A_174 = arith.index_cast %add3A_165 : i32 to index
        %swap3A_175 = tpu.vector_load %arg11[%swap3A_174] {strides = array<i32>} : memref<2048xf32, #tpu.memory_space<vmem>>, vector<16xf32>,
        %swap3A_176 = vector.shape_cast %swap3A_175 : vector<16xf32> to vector<16xf32>
        %swap3A_177 = vector.shape_cast %mul3A_173 : vector<16xf32> to vector<16xf32>
        tpu.vector_store %arg11[%swap3A_174], %swap3A_177 {strides = array<i32>} : memref<2048xf32, #tpu.memory_space<vmem>>, vector<16xf32>,
        %mul3A_178 = arith.constant 128 : i32
        %mul3A_179 = arith.muli %scan3A_99, %mul3A_178 : i32
        %add3A_180 = arith.constant 80 : i32
        %add3A_181 = arith.addi %mul3A_179, %add3A_180 : i32
        %get3A_182 = arith.index_cast %add3A_181 : i32 to index
        %get3A_183 = tpu.vector_load %arg11[%get3A_182] {strides = array<i32>} : memref<2048xf32, #tpu.memory_space<vmem>>, vector<16xf32>,
        %get3A_184 = vector.shape_cast %get3A_183 : vector<16xf32> to vector<16xf32>
        %get3A_185 = arith.index_cast %scan3A_99 : i32 to index
        %get3A_186 = arith.constant 80 : index
        %get3A_187 = tpu.vector_load %arg9[%get3A_185, %get3A_186] {strides = array<i32>} : memref<16x128xf32, #tpu.memory_space<vmem>>, vector<1x16xf32>,
        %get3A_188 = vector.shape_cast %get3A_187 : vector<1x16xf32> to vector<16xf32>
        %mul3A_189 = arith.mulf %get3A_184, %get3A_188 : vector<16xf32>
        %swap3A_190 = arith.index_cast %add3A_181 : i32 to index
        %swap3A_191 = tpu.vector_load %arg11[%swap3A_190] {strides = array<i32>} : memref<2048xf32, #tpu.memory_space<vmem>>, vector<16xf32>,
        %swap3A_192 = vector.shape_cast %swap3A_191 : vector<16xf32> to vector<16xf32>
        %swap3A_193 = vector.shape_cast %mul3A_189 : vector<16xf32> to vector<16xf32>
        tpu.vector_store %arg11[%swap3A_190], %swap3A_193 {strides = array<i32>} : memref<2048xf32, #tpu.memory_space<vmem>>, vector<16xf32>,
        %mul3A_194 = arith.constant 128 : i32
        %mul3A_195 = arith.muli %scan3A_99, %mul3A_194 : i32
        %add3A_196 = arith.constant 96 : i32
        %add3A_197 = arith.addi %mul3A_195, %add3A_196 : i32
        %get3A_198 = arith.index_cast %add3A_197 : i32 to index
        %get3A_199 = tpu.vector_load %arg11[%get3A_198] {strides = array<i32>} : memref<2048xf32, #tpu.memory_space<vmem>>, vector<16xf32>,
        %get3A_200 = vector.shape_cast %get3A_199 : vector<16xf32> to vector<16xf32>
        %get3A_201 = arith.index_cast %scan3A_99 : i32 to index
        %get3A_202 = arith.constant 96 : index
        %get3A_203 = tpu.vector_load %arg9[%get3A_201, %get3A_202] {strides = array<i32>} : memref<16x128xf32, #tpu.memory_space<vmem>>, vector<1x16xf32>,
        %get3A_204 = vector.shape_cast %get3A_203 : vector<1x16xf32> to vector<16xf32>
        %mul3A_205 = arith.mulf %get3A_200, %get3A_204 : vector<16xf32>
        %swap3A_206 = arith.index_cast %add3A_197 : i32 to index
        %swap3A_207 = tpu.vector_load %arg11[%swap3A_206] {strides = array<i32>} : memref<2048xf32, #tpu.memory_space<vmem>>, vector<16xf32>,
        %swap3A_208 = vector.shape_cast %swap3A_207 : vector<16xf32> to vector<16xf32>
        %swap3A_209 = vector.shape_cast %mul3A_205 : vector<16xf32> to vector<16xf32>
        tpu.vector_store %arg11[%swap3A_206], %swap3A_209 {strides = array<i32>} : memref<2048xf32, #tpu.memory_space<vmem>>, vector<16xf32>,
        %mul3A_210 = arith.constant 128 : i32
        %mul3A_211 = arith.muli %scan3A_99, %mul3A_210 : i32
        %add3A_212 = arith.constant 112 : i32
        %add3A_213 = arith.addi %mul3A_211, %add3A_212 : i32
        %get3A_214 = arith.index_cast %add3A_213 : i32 to index
        %get3A_215 = tpu.vector_load %arg11[%get3A_214] {strides = array<i32>} : memref<2048xf32, #tpu.memory_space<vmem>>, vector<16xf32>,
        %get3A_216 = vector.shape_cast %get3A_215 : vector<16xf32> to vector<16xf32>
        %get3A_217 = arith.index_cast %scan3A_99 : i32 to index
        %get3A_218 = arith.constant 112 : index
        %get3A_219 = tpu.vector_load %arg9[%get3A_217, %get3A_218] {strides = array<i32>} : memref<16x128xf32, #tpu.memory_space<vmem>>, vector<1x16xf32>,
        %get3A_220 = vector.shape_cast %get3A_219 : vector<1x16xf32> to vector<16xf32>
        %mul3A_221 = arith.mulf %get3A_216, %get3A_220 : vector<16xf32>
        %swap3A_222 = arith.index_cast %add3A_213 : i32 to index
        %swap3A_223 = tpu.vector_load %arg11[%swap3A_222] {strides = array<i32>} : memref<2048xf32, #tpu.memory_space<vmem>>, vector<16xf32>,
        %swap3A_224 = vector.shape_cast %swap3A_223 : vector<16xf32> to vector<16xf32>
        %swap3A_225 = vector.shape_cast %mul3A_221 : vector<16xf32> to vector<16xf32>
        tpu.vector_store %arg11[%swap3A_222], %swap3A_225 {strides = array<i32>} : memref<2048xf32, #tpu.memory_space<vmem>>, vector<16xf32>,
      }
      %scan3A_94 = arith.constant 16 : i32
      %mul3A_95 = arith.constant 128 : i32
      %mul3A_96 = arith.muli %add3A_29, %mul3A_95 : i32
      %dma_start3A_97 = tpu.memref_slice %arg5[%mul3A_96] : memref<4194304xf32, #tpu.memory_space<hbm>> -> memref<2048xf32, #tpu.memory_space<hbm>>
      %dma_start3A_98 = tpu.memref_slice %arg5[%mul3A_96] : memref<4194304xf32, #tpu.memory_space<hbm>> -> memref<2048xf32, #tpu.memory_space<hbm>>
      tpu.enqueue_dma source(%arg11 : memref<2048xf32, #tpu.memory_space<vmem>>) target(%dma_start3A_98 : memref<2048xf32, #tpu.memory_space<hbm>>) target_semaphore(%arg17 : memref<!tpu.dma_semaphore, #tpu.memory_space<semaphore_mem>>)
    }
    %scan3A_14 = arith.constant 32 : i32
    %dma_wait3A = arith.constant 0 : i32
    %dma_wait3A_15 = tpu.memref_slice %arg5[%dma_wait3A] : memref<4194304xf32, #tpu.memory_space<hbm>> -> memref<2048xf32, #tpu.memory_space<hbm>>
    %dma_wait3A_16 = arith.constant 0 : i32
    %dma_wait3A_17 = tpu.memref_slice %arg5[%dma_wait3A_16] : memref<4194304xf32, #tpu.memory_space<hbm>> -> memref<2048xf32, #tpu.memory_space<hbm>>
    tpu.wait_dma2 semaphore(%arg16 : memref<!tpu.dma_semaphore, #tpu.memory_space<semaphore_mem>>) src(%arg10 : memref<2048xf32, #tpu.memory_space<vmem>>) dst(%dma_wait3A_17 : memref<2048xf32, #tpu.memory_space<hbm>>)
    %dma_wait3A_18 = arith.constant 0 : i32
    %dma_wait3A_19 = tpu.memref_slice %arg5[%dma_wait3A_18] : memref<4194304xf32, #tpu.memory_space<hbm>> -> memref<2048xf32, #tpu.memory_space<hbm>>
    %dma_wait3A_20 = arith.constant 0 : i32
    %dma_wait3A_21 = tpu.memref_slice %arg5[%dma_wait3A_20] : memref<4194304xf32, #tpu.memory_space<hbm>> -> memref<2048xf32, #tpu.memory_space<hbm>>
    tpu.wait_dma2 semaphore(%arg17 : memref<!tpu.dma_semaphore, #tpu.memory_space<semaphore_mem>>) src(%arg11 : memref<2048xf32, #tpu.memory_space<vmem>>) dst(%dma_wait3A_21 : memref<2048xf32, #tpu.memory_space<hbm>>)
    return
  }
}

module attributes {stable_mosaic.version = 14 : i64} {
  func.func @_sigma_index_body(%arg0: i32, %arg1: memref<256x128xf32, #tpu.memory_space<vmem>>, %arg2: memref<256x128xi32, #tpu.memory_space<vmem>>) attributes {dimension_semantics = [#tpu.dimension_semantics<arbitrary>], iteration_bounds = array<i64: 32>, scalar_prefetch = 0 : i64, scratch_operands = 0 : i64, tpu.core_type = #tpu.core_type<tc>, window_params = [{transform_indices = @transform_0, window_bounds = array<i64: 256, 128>}, {transform_indices = @transform_1, window_bounds = array<i64: 256, 128>}]} {
    %get3A = arith.constant 0 : index
    %get3A_0 = arith.constant 0 : index
    %get3A_1 = vector.load %arg1[%get3A, %get3A_0] : memref<256x128xf32, #tpu.memory_space<vmem>>, vector<256x128xf32>
    %div3A = arith.constant 3.14159274 : f32
    %div3A_2 = vector.broadcast %div3A : f32 to vector<256x128xf32>
    %div3A_3 = arith.divf %get3A_1, %div3A_2 : vector<256x128xf32>
    %log3A = math.log %div3A_3 : vector<256x128xf32>
    %sub3A = arith.constant -5.80914306 : f32
    %sub3A_4 = vector.broadcast %sub3A : f32 to vector<256x128xf32>
    %sub3A_5 = arith.subf %log3A, %sub3A_4 : vector<256x128xf32>
    %mul3A = arith.constant 768.959839 : f32
    %mul3A_6 = vector.broadcast %mul3A : f32 to vector<256x128xf32>
    %mul3A_7 = arith.mulf %sub3A_5, %mul3A_6 : vector<256x128xf32>
    %jit3A = arith.constant 0 : i32
    %jit3A_8 = arith.constant 5000 : i32
    %convert_element_type3A = arith.sitofp %jit3A : i32 to f32
    %max3A = vector.broadcast %convert_element_type3A : f32 to vector<256x128xf32>
    %max3A_9 = arith.maximumf %max3A, %mul3A_7 : vector<256x128xf32>
    %convert_element_type3A_10 = arith.sitofp %jit3A_8 : i32 to f32
    %min3A = vector.broadcast %convert_element_type3A_10 : f32 to vector<256x128xf32>
    %min3A_11 = arith.minimumf %min3A, %max3A_9 : vector<256x128xf32>
    %round3A = math.roundeven %min3A_11 : vector<256x128xf32>
    %convert_element_type3A_12 = arith.fptosi %round3A : vector<256x128xf32> to vector<256x128xi32>
    %mul3A_13 = arith.constant 5001 : i32
    %mul3A_14 = vector.broadcast %mul3A_13 : i32 to vector<256x128xi32>
    %mul3A_15 = arith.muli %convert_element_type3A_12, %mul3A_14 : vector<256x128xi32>
    %swap3A = arith.constant 0 : index
    %swap3A_16 = arith.constant 0 : index
    %swap3A_17 = vector.load %arg2[%swap3A, %swap3A_16] : memref<256x128xi32, #tpu.memory_space<vmem>>, vector<256x128xi32>
    tpu.vector_store %arg2[%swap3A, %swap3A_16], %mul3A_15 {strides = array<i32>} : memref<256x128xi32, #tpu.memory_space<vmem>>, vector<256x128xi32>,
    return
  }
  func.func @transform_0(%arg0: i32) -> (i32, i32) {
    %c0_i32 = arith.constant 0 : i32
    %c0_i32_0 = arith.constant 0 : i32
    return %arg0, %c0_i32 : i32, i32
  }
  func.func @transform_1(%arg0: i32) -> (i32, i32) {
    %c0_i32 = arith.constant 0 : i32
    %c0_i32_0 = arith.constant 0 : i32
    return %arg0, %c0_i32 : i32, i32
  }
}

module attributes {stable_mosaic.version = 14 : i64} {
  func.func @_x_index_body(%arg0: i32, %arg1: memref<256x128xf32, #tpu.memory_space<vmem>>, %arg2: memref<256x128xi32, #tpu.memory_space<vmem>>, %arg3: memref<256x128xi32, #tpu.memory_space<vmem>>, %arg4: memref<256x128xf32, #tpu.memory_space<vmem>>) attributes {dimension_semantics = [#tpu.dimension_semantics<arbitrary>], iteration_bounds = array<i64: 128>, scalar_prefetch = 0 : i64, scratch_operands = 0 : i64, tpu.core_type = #tpu.core_type<tc>, window_params = [{transform_indices = @transform_0, window_bounds = array<i64: 256, 128>}, {transform_indices = @transform_1, window_bounds = array<i64: 256, 128>}, {transform_indices = @transform_2, window_bounds = array<i64: 256, 128>}, {transform_indices = @transform_3, window_bounds = array<i64: 256, 128>}]} {
    %get3A = arith.constant 0 : index
    %get3A_0 = arith.constant 0 : index
    %get3A_1 = vector.load %arg1[%get3A, %get3A_0] : memref<256x128xf32, #tpu.memory_space<vmem>>, vector<256x128xf32>
    %add3A = arith.constant 3.14159274 : f32
    %add3A_2 = vector.broadcast %add3A : f32 to vector<256x128xf32>
    %add3A_3 = arith.addf %get3A_1, %add3A_2 : vector<256x128xf32>
    %jit3A = arith.constant 6.28318548 : f32
    %rem3A = vector.broadcast %jit3A : f32 to vector<256x128xf32>
    %rem3A_4 = arith.remf %add3A_3, %rem3A : vector<256x128xf32>
    %ne3A = arith.constant 0.000000e+00 : f32
    %ne3A_5 = vector.broadcast %ne3A : f32 to vector<256x128xf32>
    %ne3A_6 = arith.cmpf one, %rem3A_4, %ne3A_5 : vector<256x128xf32>
    %lt3A = arith.constant 0.000000e+00 : f32
    %lt3A_7 = vector.broadcast %lt3A : f32 to vector<256x128xf32>
    %lt3A_8 = arith.cmpf olt, %rem3A_4, %lt3A_7 : vector<256x128xf32>
    %lt3A_9 = arith.constant 0.000000e+00 : f32
    %lt3A_10 = arith.cmpf olt, %jit3A, %lt3A_9 : f32
    %ne3A_11 = vector.broadcast %lt3A_10 : i1 to vector<256x128xi1>
    %ne3A_12 = vector.broadcast %ne3A_11 : vector<256x128xi1> to vector<256x128xi1>
    %ne3A_13 = arith.xori %lt3A_8, %ne3A_12 : vector<256x128xi1>
    %and3A = arith.andi %ne3A_13, %ne3A_6 : vector<256x128xi1>
    %add3A_14 = vector.broadcast %jit3A : f32 to vector<256x128xf32>
    %add3A_15 = arith.addf %rem3A_4, %add3A_14 : vector<256x128xf32>
    %select_n3A = arith.select %and3A, %add3A_15, %rem3A_4 : vector<256x128xi1>, vector<256x128xf32>
    %sub3A = arith.constant 3.14159274 : f32
    %sub3A_16 = vector.broadcast %sub3A : f32 to vector<256x128xf32>
    %sub3A_17 = arith.subf %select_n3A, %sub3A_16 : vector<256x128xf32>
    %sign3A = tpu.bitcast %sub3A_17 : vector<256x128xf32> -> vector<256x128xi32>
    %sign3A_18 = arith.constant -2147483648 : i32
    %sign3A_19 = vector.broadcast %sign3A_18 : i32 to vector<256x128xi32>
    %sign3A_20 = arith.andi %sign3A, %sign3A_19 : vector<256x128xi32>
    %sign3A_21 = arith.constant 1065353216 : i32
    %sign3A_22 = vector.broadcast %sign3A_21 : i32 to vector<256x128xi32>
    %sign3A_23 = arith.ori %sign3A_22, %sign3A_20 : vector<256x128xi32>
    %sign3A_24 = tpu.bitcast %sign3A_23 : vector<256x128xi32> -> vector<256x128xf32>
    %sign3A_25 = math.absf %sub3A_17 : vector<256x128xf32>
    %sign3A_26 = arith.constant 0.000000e+00 : f32
    %sign3A_27 = vector.broadcast %sign3A_26 : f32 to vector<256x128xf32>
    %sign3A_28 = arith.cmpf ogt, %sign3A_25, %sign3A_27 : vector<256x128xf32>
    %sign3A_29 = arith.select %sign3A_28, %sign3A_24, %sub3A_17 : vector<256x128xi1>, vector<256x128xf32>
    %abs3A = math.absf %sub3A_17 : vector<256x128xf32>
    %div3A = arith.constant 3.14159274 : f32
    %div3A_30 = vector.broadcast %div3A : f32 to vector<256x128xf32>
    %div3A_31 = arith.divf %abs3A, %div3A_30 : vector<256x128xf32>
    %add3A_32 = arith.constant 1.000000e-10 : f32
    %add3A_33 = vector.broadcast %add3A_32 : f32 to vector<256x128xf32>
    %add3A_34 = arith.addf %div3A_31, %add3A_33 : vector<256x128xf32>
    %log3A = math.log %add3A_34 : vector<256x128xf32>
    %sub3A_35 = arith.constant -11.5129251 : f32
    %sub3A_36 = vector.broadcast %sub3A_35 : f32 to vector<256x128xf32>
    %sub3A_37 = arith.subf %log3A, %sub3A_36 : vector<256x128xf32>
    %mul3A = arith.constant 434.294495 : f32
    %mul3A_38 = vector.broadcast %mul3A : f32 to vector<256x128xf32>
    %mul3A_39 = arith.mulf %sub3A_37, %mul3A_38 : vector<256x128xf32>
    %jit3A_40 = arith.constant 0 : i32
    %jit3A_41 = arith.constant 5000 : i32
    %convert_element_type3A = arith.sitofp %jit3A_40 : i32 to f32
    %max3A = vector.broadcast %convert_element_type3A : f32 to vector<256x128xf32>
    %max3A_42 = arith.maximumf %max3A, %mul3A_39 : vector<256x128xf32>
    %convert_element_type3A_43 = arith.sitofp %jit3A_41 : i32 to f32
    %min3A = vector.broadcast %convert_element_type3A_43 : f32 to vector<256x128xf32>
    %min3A_44 = arith.minimumf %min3A, %max3A_42 : vector<256x128xf32>
    %round3A = math.roundeven %min3A_44 : vector<256x128xf32>
    %convert_element_type3A_45 = arith.fptosi %round3A : vector<256x128xf32> to vector<256x128xi32>
    %get3A_46 = arith.constant 0 : index
    %get3A_47 = arith.constant 0 : index
    %get3A_48 = vector.load %arg2[%get3A_46, %get3A_47] : memref<256x128xi32, #tpu.memory_space<vmem>>, vector<256x128xi32>
    %add3A_49 = arith.addi %get3A_48, %convert_element_type3A_45 : vector<256x128xi32>
    %swap3A = arith.constant 0 : index
    %swap3A_50 = arith.constant 0 : index
    %swap3A_51 = vector.load %arg3[%swap3A, %swap3A_50] : memref<256x128xi32, #tpu.memory_space<vmem>>, vector<256x128xi32>
    tpu.vector_store %arg3[%swap3A, %swap3A_50], %add3A_49 {strides = array<i32>} : memref<256x128xi32, #tpu.memory_space<vmem>>, vector<256x128xi32>,
    %neg3A = arith.constant 0.000000e+00 : f32
    %neg3A_52 = vector.broadcast %neg3A : f32 to vector<256x128xf32>
    %neg3A_53 = arith.subf %neg3A_52, %sign3A_29 : vector<256x128xf32>
    %swap3A_54 = arith.constant 0 : index
    %swap3A_55 = arith.constant 0 : index
    %swap3A_56 = vector.load %arg4[%swap3A_54, %swap3A_55] : memref<256x128xf32, #tpu.memory_space<vmem>>, vector<256x128xf32>
    tpu.vector_store %arg4[%swap3A_54, %swap3A_55], %neg3A_53 {strides = array<i32>} : memref<256x128xf32, #tpu.memory_space<vmem>>, vector<256x128xf32>,
    return
  }
  func.func @transform_0(%arg0: i32) -> (i32, i32) {
    %c0_i32 = arith.constant 0 : i32
    %c0_i32_0 = arith.constant 0 : i32
    return %arg0, %c0_i32 : i32, i32
  }
  func.func @transform_1(%arg0: i32) -> (i32, i32) {
    %jit3A = arith.constant 32 : i32
    %eq3A = arith.constant 0 : i32
    %eq3A_0 = arith.cmpi eq, %jit3A, %eq3A : i32
    %jit3A_1 = arith.constant 1 : i32
    %select_n3A = arith.select %eq3A_0, %jit3A_1, %jit3A : i32
    %rem3A = arith.remsi %arg0, %select_n3A : i32
    %ne3A = arith.constant 0 : i32
    %ne3A_2 = arith.cmpi ne, %rem3A, %ne3A : i32
    %lt3A = arith.constant 0 : i32
    %lt3A_3 = arith.cmpi slt, %rem3A, %lt3A : i32
    %lt3A_4 = arith.constant 0 : i32
    %lt3A_5 = arith.cmpi slt, %select_n3A, %lt3A_4 : i32
    %ne3A_6 = arith.xori %lt3A_3, %lt3A_5 : i1
    %and3A = arith.andi %ne3A_6, %ne3A_2 : i1
    %add3A = arith.addi %rem3A, %select_n3A : i32
    %select_n3A_7 = arith.select %and3A, %add3A, %rem3A : i32
    %c0_i32 = arith.constant 0 : i32
    %c0_i32_8 = arith.constant 0 : i32
    return %select_n3A_7, %c0_i32 : i32, i32
  }
  func.func @transform_2(%arg0: i32) -> (i32, i32) {
    %c0_i32 = arith.constant 0 : i32
    %c0_i32_0 = arith.constant 0 : i32
    return %arg0, %c0_i32 : i32, i32
  }
  func.func @transform_3(%arg0: i32) -> (i32, i32) {
    %c0_i32 = arith.constant 0 : i32
    %c0_i32_0 = arith.constant 0 : i32
    return %arg0, %c0_i32 : i32, i32
  }
}

</mosaic_0001>

<sc_bundles>
// kernel: kernel.5.cloned.1.call-start
scs
__scs_entry_jumppad:
0x0: {  	(pc) =	sbr.rel $0x88, $3  }
0x1: {  	(tag) =	ssettag $0x0;
	lr =	simm.s32 $0x1  }
0x2: {  	[smem:$0x3F9E] =	sst lr;
	_ =	strace $0xD0000000  }
0x3: {  	_ = 	snop  }
0x4: {  	_ = 	snop  }
0x5: {  	_ = 	snop  }
0x6: {  	_ = 	snop  }
0x7: {  	_ = 	snop  }
__scs_overlays_trampoline_lowered:
0x8: {  	[smem:$0x3FAD] =	sst s0  }
0x9: {  	[smem:$0x3FAE] =	sst s1  }
0xa: {  	[smem:$0x3FAF] =	sst s2  }
0xb: {  	[smem:$0x3FB0] =	sst s3  }
0xc: {  	[smem:$0x3FB1] =	sst s4  }
0xd: {  	[smem:$0x3FB2] =	sst s5  }
0xe: {  	[smem:$0x3FB3] =	sst s6  }
0xf: {  	[smem:$0x3FB4] =	sst s7  }
0x10: {  	[smem:$0x3FB5] =	sst s8  }
0x11: {  	[smem:$0x3FB6] =	sst s9;
	s0 =	simm.s32 @!p0 $0x0  }
0x12: {  	s1 =	sld [smem:$0x3F9C];
	s0 =	simm.s32 @p0 $0x1  }
0x13: {  	[smem:$0x3FB7] =	sst s0;
	s0 =	simm.s32 @!p1 $0x0  }
0x14: {  	s2 =	sld [smem:$0x3F9B];
	s0 =	simm.s32 @p1 $0x1  }
0x15: {  	[smem:$0x3FB8] =	sst s0;
	s0 =	simm.s32 @!p2 $0x0  }
0x16: {  	s3 =	sld [smem:$0x3FDB];
	s0 =	simm.s32 @p2 $0x1  }
0x17: {  	s4 =	simm.s32 $0x1BF5;
	[smem:$0x3FBA] =	sst s0  }
0x18: {  	s0 =	sld [smem:$0x3F9D];
	_ =	swait.ge [sflag:s4], $0x0  }
0x19: {  	s7 =	sld [smem:$0x3F9E]  }
0x1a: {  	s8 =	sadd.s32 $0xFFFFE003, lr  }
0x1b: {  	s9 =	sadd.s32 $0xFFFFFEF7, lr;
	s5 =	simm.s32 $0xFFFFFFFF;
	p2 =	slt.u32 s8, $0xFFFFF086  }
0x1c: {  	p1 =	slt.u32 s9, $0xF7A;
	s5 =	simm.s32 @!p2 $0x0  }
0x1d: {  	s5 =	simm.s32 @p1 $0x1;
	p0 =	seq.s32 s7, s2  }
0x1e: {  	s7 =	smul.u32 @!p0 $0xF7A, s2;
	p2 =	seq.s32 @!p0 s5, $0x0  }
0x1f: {  	s9 =	smul.u32 $0xF7A, s1;
	s8 =	simm.s32 @!p0 $0x1BF5;
	p2 =	por !p2, p0  }
0x20: {  	[sflag:s8] =	ssyncset.s32 @!p0 $0xFFFFF086;
	s6 =	sadd.s32 @!p0 s3, s7;
	s7 =	simm.s32 @!p0 $0x108  }
0x21: {  	s3 =	sadd.s32 s3, s9;
	s6 =	sadd.s32 @!p0 $0x88, s6;
	s7 =	simm.s32 @p2 $0x1082  }
0x22: {  	[simem:s7], [sflag:s8] =	dma.local @!p0 [hbm:s6], $0xF7A  }
0x23: {  	s9 =	sor.u32 $0xD0000000, s2;
	s6 =	simm.s32 $0x108;
	_ =	swait.ge @!p0 [sflag:s8], $0x0  }
0x24: {  	s3 =	sadd.s32 $0x88, s3;
	s6 =	simm.s32 @!p1 $0x1082;
	[sflag:s4] =	ssyncset.s32 $0xFFFFF086  }
0x25: {  	[simem:s6], [sflag:s4] =	dma.local [hbm:s3], $0xF7A  }
0x26: {  	[smem:$0x3F9E] =	sst s1;
	(tag) =	ssettag s2;
	_ =	strace s9  }
0x27: {  	s1 =	sld [smem:$0x3FAE]  }
0x28: {  	s2 =	sld [smem:$0x3FAF]  }
0x29: {  	s4 =	sld [smem:$0x3FB1]  }
0x2a: {  	p0 =	seq.s32 s5, $0x0;
	s5 =	sld [smem:$0x3FB2]  }
0x2b: {  	s6 =	sld [smem:$0x3FB3]  }
0x2c: {  	s7 =	sld [smem:$0x3FB4]  }
0x2d: {  	s3 =	simm.s32 $0x108;
	s8 =	sld [smem:$0x3FB5]  }
0x2e: {  	s3 =	simm.s32 @!p0 $0x1082;
	s9 =	sld [smem:$0x3FB6]  }
0x2f: {  	lr =	sadd.s32 s0, s3;
	s0 =	sld [smem:$0x3FAD]  }
0x30: {  	s3 =	sld [smem:$0x3FB0]  }
0x31: {  	[smem:$0x3FB9] =	sst s10  }
0x32: {  	s10 =	sld [smem:$0x3FB7];
	_ =	sdelay $0x3  }
0x33: {  	p0 =	seq.s32 s10, $0x1;
	s10 =	sld [smem:$0x3FB9];
	_ =	sdelay $0x3  }
0x34: {  	[smem:$0x3FB9] =	sst s10  }
0x35: {  	s10 =	sld [smem:$0x3FB8];
	_ =	sdelay $0x3  }
0x36: {  	p1 =	seq.s32 s10, $0x1;
	s10 =	sld [smem:$0x3FB9];
	_ =	sdelay $0x3  }
0x37: {  	[smem:$0x3FB9] =	sst s10  }
0x38: {  	s10 =	sld [smem:$0x3FBA]  }
0x39: {  	_ = 	snop;
	(pc) =	sbr.ind lr, $3  }
0x3a: {  	_ = 	snop  }
0x3b: {  	_ = 	snop  }
0x3c: {  	p2 =	seq.s32 s10, $0x1;
	s10 =	sld [smem:$0x3FB9]  }
0x3d: {  	_ =	shalt  }
0x3e: {  	_ =	shalt  }
0x3f: {  	_ =	shalt  }
0x40: {  	_ =	shalt  }
0x41: {  	_ =	shalt  }
0x42: {  	_ =	shalt  }
0x43: {  	_ =	shalt  }
0x44: {  	_ =	shalt  }
0x45: {  	_ =	shalt  }
0x46: {  	_ =	shalt  }
0x47: {  	_ =	shalt  }
0x48: {  	_ =	shalt  }
0x49: {  	_ =	shalt  }
0x4a: {  	_ =	shalt  }
0x4b: {  	_ =	shalt  }
0x4c: {  	_ =	shalt  }
0x4d: {  	_ =	shalt  }
0x4e: {  	_ =	shalt  }
0x4f: {  	_ =	shalt  }
0x50: {  	_ =	shalt  }
0x51: {  	_ =	shalt  }
0x52: {  	_ =	shalt  }
0x53: {  	_ =	shalt  }
0x54: {  	_ =	shalt  }
0x55: {  	_ =	shalt  }
0x56: {  	_ =	shalt  }
0x57: {  	_ =	shalt  }
0x58: {  	_ =	shalt  }
0x59: {  	_ =	shalt  }
0x5a: {  	_ =	shalt  }
0x5b: {  	_ =	shalt  }
0x5c: {  	_ =	shalt  }
0x5d: {  	_ =	shalt  }
0x5e: {  	_ =	shalt  }
0x5f: {  	_ =	shalt  }
0x60: {  	_ =	shalt  }
0x61: {  	_ =	shalt  }
0x62: {  	_ =	shalt  }
0x63: {  	_ =	shalt  }
0x64: {  	_ =	shalt  }
0x65: {  	_ =	shalt  }
0x66: {  	_ =	shalt  }
0x67: {  	_ =	shalt  }
0x68: {  	_ =	shalt  }
0x69: {  	_ =	shalt  }
0x6a: {  	_ =	shalt  }
0x6b: {  	_ =	shalt  }
0x6c: {  	_ =	shalt  }
0x6d: {  	_ =	shalt  }
0x6e: {  	_ =	shalt  }
0x6f: {  	_ =	shalt  }
0x70: {  	_ =	shalt  }
0x71: {  	_ =	shalt  }
0x72: {  	_ =	shalt  }
0x73: {  	_ =	shalt  }
0x74: {  	_ =	shalt  }
0x75: {  	_ =	shalt  }
0x76: {  	_ =	shalt  }
0x77: {  	_ =	shalt  }
0x78: {  	_ =	shalt  }
0x79: {  	_ =	shalt  }
0x7a: {  	_ =	shalt  }
0x7b: {  	_ =	shalt  }
0x7c: {  	_ =	shalt  }
0x7d: {  	_ =	shalt  }
0x7e: {  	_ =	shalt  }
0x7f: {  	_ =	shalt  }
0x80: {  	_ =	shalt  }
0x81: {  	_ =	shalt  }
0x82: {  	_ =	shalt  }
0x83: {  	_ =	shalt  }
0x84: {  	_ =	shalt  }
0x85: {  	_ =	shalt  }
0x86: {  	_ =	shalt  }
0x87: {  	_ =	shalt  }
.Lfunc_end0:
.L_simem_size_0:
called_computation_lowered:
.L_overlay_start_0:
0x88: {  	s2 =	sld [smem:$0x3FD9]  }
0x89: {  	s3 =	sld [smem:$0x3FFE];
	_ =	sdelay $0x1  }
0x8a: {  	s1 =	srdreg.scid  }
0x8b: {  	s0 =	sand.u32 $0x1, s1  }
0x8c: {  	s16 =	sshll.u32 s0, $0xA;
	s2 =	sadd.s32 s3, s2  }
0x8d: {  	s2 =	sadd.s32 s2, s16  }
0x8e: {  	[smem:$0x3FC5] =	sst s2  }
0x8f: {  	_ = 	snop  }
0x90: {  	(tm) =	ssettm $0x1  }
0x91: {  	s17 =	sld [smem:$0x3FFB];
	_ =	sdelay $0x3  }
0x92: {  	_ =	strace s17  }
0x93: {  	s2 =	sld [smem:$0x3FFC];
	_ =	sdelay $0x3  }
0x94: {  	_ =	strace s2  }
0x95: {  	s2 =	sld [smem:$0x3FFD];
	_ =	sdelay $0x3  }
0x96: {  	_ =	strace s2  }
0x97: {  	_ =	strace $0x8FFFFFFF  }
0x98: {  	s18 =	sld [smem:$0x3FDB];
	_ =	sdelay $0x1  }
0x99: {  	s19 =	simm.s32 $_scs_section_size  }
0x9a: {  	s4 =	simm.s32 $_size__tile_overlayer_lowered;
	s5 =	simm.s32 $_tile_overlayer_lowered  }
0x9b: {  	s22 =	simm.s32 $0x1BFF;
	s21 =	sshll.u32 s5, $0x1;
	s2 =	sadd.s32 s19, s18  }
0x9c: {  	s6 =	simm.s32 $0x0;
	s20 =	sshll.u32 s4, $0x1;
	s4 =	sadd.s32 s21, s2  }
0x9d: {  	[timem:s6], [sflag:s22] =	dma.local [hbm:s4], s20  }
0x9e: {  	_ =	swait.ge [sflag:s22], s20  }
0x9f: {  	s3 =	ssub.s32 $0x0, s20;
	[sflag:s22] =	ssyncset.done $0x0  }
0xa0: {  	[sflag:s22] =	ssyncadd.s32 s3;
	_ =	sdelay $0x1  }
0xa1: {  	s23 =	simm.s32 $0x1B8B  }
0xa2: {  	_ =	swait.ge [sflag:s23], $0x1  }
0xa3: {  	[sflag:s23] =	ssyncset.done $0x0  }
0xa4: {  	s25 =	simm.s32 $0x1B8E;
	s24 =	sld [smem:$0x3FFE];
	[sflag:s23] =	ssyncadd.s32 $0xFFFFFFFF  }
0xa5: {  	s26 =	simm.s32 $execute0_lowered;
	[smem:$0x3FD2] =	sst s25  }
0xa6: {  	s4 =	sshll.u32 s26, $0x1;
	_ =	strace $0x80000046;
	[dreg:$0x1] =	wrdreg $0xFFFFFFFF  }
0xa7: {  	s28 =	simm.s32 $_size_execute0_lowered;
	s2 =	sadd.s32 s2, s4;
	[dreg:$0x0] =	wrdreg $0x0  }
0xa8: {  	s4 =	sshll.u32 s28, $0x1;
	[dreg:$0x2] =	wrdreg s2  }
0xa9: {  	[dreg:$0x3] =	wrdreg s4  }
0xaa: {  	[dreg:$0x4] =	wrdreg $0xC0  }
0xab: {  	_ =	task [dreg:s6], $0x5FFFF  }
0xac: {  	[dreg:$0x1] =	wrdreg $0xFFFFFFFF  }
0xad: {  	[dreg:$0x0] =	wrdreg $0x60  }
0xae: {  	[dreg:$0x2] =	wrdreg s24  }
0xaf: {  	[dreg:$0x3] =	wrdreg $0x9  }
0xb0: {  	_ =	task.clear_ibuf [dreg:s6], $0x4FFFF;
	_ =	strace $0x90000046  }
0xb1: {  	s29 =	simm.s32 $0x9;
	_ =	strace $0x80000048  }
0xb2: {  	_ =	swait.ge [sflag:s29], $0x1  }
0xb3: {  	[sflag:s29] =	ssyncadd.s32 $0xFFFFFFFF  }
0xb4: {  	_ =	strace $0x90000048  }
0xb5: {  	_ =	sfence  }
0xb6: {  	s30 =	sld [smem:$0x0];
	_ =	sdelay $0x2  }
0xb7: {  	s31 =	sshll.u32 s1, $0xD;
	s1 =	sshrl.u32 s1, $0x2  }
0xb8: {  	s3 =	sand.u32 $0x4000, s31;
	s1 =	sadd.s32 s1, s30  }
0xb9: {  	s0 =	sor.u32 s3, s0;
	s1 =	sshll.u32 s1, $0x11  }
0xba: {  	s0 =	sor.u32 s1, s0  }
0xbb: {  	s0 =	sadd.s32 $0x8F2B, s0  }
0xbc: {  	[sflag:s0] =	ssyncadd.remote.s32 $0x1  }
0xbd: {  	_ =	sfence.sel $0xFFFF  }
0xbe: {  	[dreg:$0x0] =	wrdreg $0xFFFFFFFF;
	(pc) =	sbr.abs _section_cstart, $3  }
0xbf: {  	[dreg:$0x1] =	wrdreg $0xFFFFFFFF  }
0xc0: {  	_ =	task.clear_ibuf [dreg:s6], $0x2FFFF;
	_ =	strace $0x9FFFFFFF  }
0xc1: {  	(tm) =	ssettm $0x7FFFFFFF  }
tec
execute0_lowered:
.L_overlay_start_1:
0x0: {  	(tag) =	ssettag $0x1  }
0x1: {  	s6 =	rddreg [dreg:$0x0]  }
0x2: {  	s0 =	rddreg [dreg:$0x1];
	s1 =	simm.s32 $0x0  }
0x3: {  	s2 =	srdreg.scid;
	s12 =	simm.s32 $0x1;
	s13 =	simm.s32 $0x800  }
0x4: {  	s14 =	simm.s32 $0x2000;
	s15 =	simm.s32 $0x1800;
	s16 =	simm.s32 $0x2  }
0x5: {  	s17 =	simm.s32 $0x2800;
	s18 =	simm.s32 $0x3;
	s19 =	simm.s32 $0x4  }
0x6: {  	s20 =	simm.s32 $0x5;
	s21 =	simm.s32 $0x6;
	[smem:$0x7FF] =	sst s1  }
0x7: {  	s22 =	simm.s32 $0x0;
	s3 =	sadd.s32 $0x2FCC00, s6;
	s4 =	sadd.s32 $0x37CC00, s6  }
0x8: {  	s7 =	sand.u32 $0x1, s2;
	s5 =	sadd.s32 $0x1800, s6;
	s2 =	stileid.u32  }
0x9: {  	s8 =	ssub.s32 $0x2, s7;
	s10 =	sshll.u32 s2, $0x9;
	s7 =	sshll.u32 s7, $0x8  }
0xa: {  	s6 =	sadd.s32 $0x3FCC00, s6;
	s9 =	sshrl.u32 s8, $0x1;
	s7 =	sor.u32 s7, s10  }
0xb: {  	_ =	strace $0x80000047;
	s11 =	ssub.s32 s8, s9;
	s8 =	sadd.s32 s3, s7  }
0xc: {  	s9 =	sadd.s32 s4, s7;
	s10 =	smax.u32 s11, $0x1;
	s11 =	simm.s32 $0x1000  }
.LBB2_1:
0xd: {  	[tilespmem:s1], [sflag:$0x1] =	stream.linear.gather [hbm4b:s8+s1], $0x800, $0x38;
	[tilespmem:$0x3000] =	vst v63  }
0xe: {  	s23 =	simm.s32 $0x0  }
0xf: {  	[tilespmem:s11], [sflag:$0x1] =	stream.linear.gather [hbm4b:s9+s1], $0x800, $0x38;
	[tilespmem:$0x3000] =	vst v63  }
.LBB2_2:
0x10: {  	_ =	swait.ge [sflag:s12], $0x800  }
0x11: {  	[sflag:s12] =	ssyncset.done $0x0  }
0x12: {  	[sflag:s12] =	ssyncadd.s32 $0xFFFFF800  }
0x13: {  	_ =	swait.ge [sflag:s12], $0x800  }
0x14: {  	p0 =	seq.s32 s23, $0x0;
	[sflag:s12] =	ssyncset.done $0x0  }
0x15: {  	s24 =	simm.s32 @!p0 $0x5;
	[sflag:s12] =	ssyncadd.s32 $0xFFFFF800  }
0x16: {  	s25 =	sshll.u32 s23, $0xE;
	_ =	swait.ge @!p0 [sflag:s24], $0x800  }
0x17: {  	s25 =	sor.u32 s7, s25;
	[sflag:s24] =	ssyncset.done @!p0 $0x0  }
0x18: {  	[sflag:s24] =	ssyncadd.s32 @!p0 $0xFFFFF800;
	s24 =	sor.u32 $0x2000, s25  }
0x19: {  	[tilespmem:s14], [sflag:$0x3] =	stream.indirect.gather [hbm4b:s5+s13], $0x1, s1, s13, $0xb8;
	[tilespmem:$0x3000] =	vst v63  }
0x1a: {  	s26 =	sadd.s32 s3, s24  }
0x1b: {  	[tilespmem:s13], [sflag:$0x2] =	stream.linear.gather [hbm4b:s26+s1], $0x800, $0x38;
	[tilespmem:$0x3000] =	vst v63  }
0x1c: {  	s31 =	sadd.s32 s4, s24  }
0x1d: {  	[tilespmem:s15], [sflag:$0x2] =	stream.linear.gather [hbm4b:s31+s1], $0x800, $0x38;
	[tilespmem:$0x3000] =	vst v63  }
0x1e: {  	_ =	swait.ge [sflag:s16], $0x800  }
0x1f: {  	[sflag:s16] =	ssyncset.done $0x0  }
0x20: {  	[sflag:s16] =	ssyncadd.s32 $0xFFFFF800  }
0x21: {  	_ =	swait.ge [sflag:s16], $0x800  }
0x22: {  	[sflag:s16] =	ssyncset.done $0x0  }
0x23: {  	s26 =	simm.s32 @!p0 $0x6;
	[sflag:s16] =	ssyncadd.s32 $0xFFFFF800  }
0x24: {  	_ =	swait.ge @!p0 [sflag:s26], $0x800  }
0x25: {  	[sflag:s26] =	ssyncset.done @!p0 $0x0  }
0x26: {  	[sflag:s26] =	ssyncadd.s32 @!p0 $0xFFFFF800  }
0x27: {  	[tilespmem:s17], [sflag:$0x4] =	stream.indirect.gather [hbm4b:s5+s13], $0x1, s13, s13, $0xb8;
	[tilespmem:$0x3000] =	vst v63  }
0x28: {  	_ =	swait.ge [sflag:s18], $0x800  }
0x29: {  	[sflag:s18] =	ssyncset.done $0x0  }
0x2a: {  	s26 =	simm.s32 $0x0;
	[sflag:s18] =	ssyncadd.s32 $0xFFFFF800  }
0x2b: {  	v7 =	vld [tilespmem:s26+$0x1000]  }
0x2c: {  	v11 =	vld [tilespmem:s26+$0x1010]  }
0x2d: {  	v5 =	vld [tilespmem:s26+$0x1020]  }
0x2e: {  	v4 =	vld [tilespmem:s26+$0x1030]  }
0x2f: {  	v3 =	vld [tilespmem:s26+$0x1040]  }
0x30: {  	v2 =	vld [tilespmem:s26+$0x1050]  }
0x31: {  	v1 =	vld [tilespmem:s26+$0x1060]  }
0x32: {  	v0 =	vld [tilespmem:s26+$0x1070]  }
0x33: {  	v12 =	vld [tilespmem:s26+$0x2000]  }
0x34: {  	v13 =	vld [tilespmem:s26+$0x2010]  }
0x35: {  	v10 =	vld [tilespmem:s26+$0x2020]  }
0x36: {  	v9 =	vld [tilespmem:s26+$0x2030]  }
0x37: {  	v8 =	vld [tilespmem:s26+$0x2040]  }
0x38: {  	v6 =	vld [tilespmem:s26+$0x2050];
	v12 =	vmul.f32 v7, v12  }
0x39: {  	s28 =	simm.s32 $0x200;
	v11 =	vmul.f32 v11, v13;
	v7 =	vld [tilespmem:s26+$0x2060]  }
.LBB2_3:
0x3a: {  	s29 =	sshra.s32 s28, $0x2;
	p0 =	sne.s32 s28, $0x1E00;
	[tilespmem:s26+$0x2000] =	vst v12;
	v5 =	vmul.f32 v5, v10;
	v10 =	vld [tilespmem:s26+$0x2070]  }
0x3b: {  	v12 =	vld [tilespmem:s29+$0x1000];
	[tilespmem:s26+$0x2010] =	vst v11;
	v4 =	vmul.f32 v4, v9  }
0x3c: {  	v11 =	vld [tilespmem:s29+$0x1010];
	[tilespmem:s26+$0x2020] =	vst v5;
	v3 =	vmul.f32 v3, v8  }
0x3d: {  	v5 =	vld [tilespmem:s29+$0x1020];
	[tilespmem:s26+$0x2030] =	vst v4;
	v2 =	vmul.f32 v2, v6  }
0x3e: {  	v4 =	vld [tilespmem:s29+$0x1030];
	[tilespmem:s26+$0x2040] =	vst v3;
	v1 =	vmul.f32 v1, v7  }
0x3f: {  	v3 =	vld [tilespmem:s29+$0x1040];
	[tilespmem:s26+$0x2050] =	vst v2;
	v0 =	vmul.f32 v0, v10  }
0x40: {  	v2 =	vld [tilespmem:s29+$0x1050];
	[tilespmem:s26+$0x2060] =	vst v1  }
0x41: {  	v1 =	vld [tilespmem:s29+$0x1060];
	[tilespmem:s26+$0x2070] =	vst v0;
	s26 =	smov.u32 s29  }
0x42: {  	v0 =	vld [tilespmem:s26+$0x1070]  }
0x43: {  	v6 =	vld [tilespmem:s26+$0x2000]  }
0x44: {  	v7 =	vld [tilespmem:s26+$0x2010]  }
.Ltmp0:
0x45: {  	v10 =	vld [tilespmem:s26+$0x2020];
	(pc) =	sbr.rel @p0 .LBB2_3-.Ltmp0, $4  }
0x46: {  	v9 =	vld [tilespmem:s26+$0x2030]  }
0x47: {  	v8 =	vld [tilespmem:s26+$0x2040]  }
0x48: {  	v12 =	vmul.f32 v12, v6;
	v6 =	vld [tilespmem:s26+$0x2050]  }
0x49: {  	s28 =	sadd.s32 $0x200, s28;
	v11 =	vmul.f32 v11, v7;
	v7 =	vld [tilespmem:s26+$0x2060]  }
0x4a: {  	[tilespmem:s26+$0x2000] =	vst v12;
	v5 =	vmul.f32 v5, v10;
	v10 =	vld [tilespmem:s26+$0x2070]  }
0x4b: {  	[tilespmem:s26+$0x2010] =	vst v11;
	v4 =	vmul.f32 v4, v9  }
0x4c: {  	[tilespmem:s26+$0x2020] =	vst v5;
	v3 =	vmul.f32 v3, v8  }
0x4d: {  	[tilespmem:s26+$0x2030] =	vst v4;
	v2 =	vmul.f32 v2, v6  }
0x4e: {  	[tilespmem:s26+$0x2040] =	vst v3;
	v1 =	vmul.f32 v1, v7  }
0x4f: {  	[tilespmem:s26+$0x2050] =	vst v2;
	v0 =	vmul.f32 v0, v10  }
0x50: {  	p0 =	seq.s32 s23, $0x1F;
	[tilespmem:s26+$0x2060] =	vst v1  }
0x51: {  	s31 =	sadd.s32 s6, s25;
	s25 =	sadd.s32 @!p0 $0x4000, s25;
	[tilespmem:s26+$0x2070] =	vst v0  }
0x52: {  	[hbm4b:s31+s1] =	stream.linear.scatter [tilespmem:s14], [sflag:$0x5], $0x800, $0x38;
	[tilespmem:$0x3000] =	vst v63  }
0x53: {  	s28 =	simm.s32 @!p0 $0x0;
	s26 =	sadd.s32 @!p0 s3, s25  }
0x54: {  	[tilespmem:s28], [sflag:$0x1] =	stream.linear.gather @!p0 [hbm4b:s26+s28], $0x800, $0x38;
	[tilespmem:$0x3000] =	vst v63  }
0x55: {  	s25 =	sadd.s32 @!p0 s4, s25;
	s26 =	simm.s32 @!p0 $0x1000  }
0x56: {  	[tilespmem:s26], [sflag:$0x1] =	stream.linear.gather @!p0 [hbm4b:s25+s28], $0x800, $0x38;
	[tilespmem:$0x3000] =	vst v63  }
0x57: {  	_ =	swait.ge [sflag:s19], $0x800  }
0x58: {  	[sflag:s19] =	ssyncset.done $0x0  }
0x59: {  	s25 =	simm.s32 $0x0;
	[sflag:s19] =	ssyncadd.s32 $0xFFFFF800  }
0x5a: {  	v7 =	vld [tilespmem:s25+$0x1800]  }
0x5b: {  	v11 =	vld [tilespmem:s25+$0x1810]  }
0x5c: {  	v5 =	vld [tilespmem:s25+$0x1820]  }
0x5d: {  	v4 =	vld [tilespmem:s25+$0x1830]  }
0x5e: {  	v3 =	vld [tilespmem:s25+$0x1840]  }
0x5f: {  	v2 =	vld [tilespmem:s25+$0x1850]  }
0x60: {  	v1 =	vld [tilespmem:s25+$0x1860]  }
0x61: {  	v0 =	vld [tilespmem:s25+$0x1870]  }
0x62: {  	v12 =	vld [tilespmem:s25+$0x2800]  }
0x63: {  	v13 =	vld [tilespmem:s25+$0x2810]  }
0x64: {  	v10 =	vld [tilespmem:s25+$0x2820]  }
0x65: {  	v9 =	vld [tilespmem:s25+$0x2830]  }
0x66: {  	v8 =	vld [tilespmem:s25+$0x2840]  }
0x67: {  	v6 =	vld [tilespmem:s25+$0x2850];
	v12 =	vmul.f32 v7, v12  }
0x68: {  	s26 =	simm.s32 $0x200;
	v11 =	vmul.f32 v11, v13;
	v7 =	vld [tilespmem:s25+$0x2860]  }
.LBB2_5:
0x69: {  	s28 =	sshra.s32 s26, $0x2;
	p0 =	sne.s32 s26, $0x1E00;
	[tilespmem:s25+$0x2800] =	vst v12;
	v5 =	vmul.f32 v5, v10;
	v10 =	vld [tilespmem:s25+$0x2870]  }
0x6a: {  	v12 =	vld [tilespmem:s28+$0x1800];
	[tilespmem:s25+$0x2810] =	vst v11;
	v4 =	vmul.f32 v4, v9  }
0x6b: {  	v11 =	vld [tilespmem:s28+$0x1810];
	[tilespmem:s25+$0x2820] =	vst v5;
	v3 =	vmul.f32 v3, v8  }
0x6c: {  	v5 =	vld [tilespmem:s28+$0x1820];
	[tilespmem:s25+$0x2830] =	vst v4;
	v2 =	vmul.f32 v2, v6  }
0x6d: {  	v4 =	vld [tilespmem:s28+$0x1830];
	[tilespmem:s25+$0x2840] =	vst v3;
	v1 =	vmul.f32 v1, v7  }
0x6e: {  	v3 =	vld [tilespmem:s28+$0x1840];
	[tilespmem:s25+$0x2850] =	vst v2;
	v0 =	vmul.f32 v0, v10  }
0x6f: {  	v2 =	vld [tilespmem:s28+$0x1850];
	[tilespmem:s25+$0x2860] =	vst v1  }
0x70: {  	v1 =	vld [tilespmem:s28+$0x1860];
	[tilespmem:s25+$0x2870] =	vst v0;
	s25 =	smov.u32 s28  }
0x71: {  	v0 =	vld [tilespmem:s25+$0x1870]  }
0x72: {  	v6 =	vld [tilespmem:s25+$0x2800]  }
0x73: {  	v7 =	vld [tilespmem:s25+$0x2810]  }
.Ltmp1:
0x74: {  	v10 =	vld [tilespmem:s25+$0x2820];
	(pc) =	sbr.rel @p0 .LBB2_5-.Ltmp1, $4  }
0x75: {  	v9 =	vld [tilespmem:s25+$0x2830]  }
0x76: {  	v8 =	vld [tilespmem:s25+$0x2840]  }
0x77: {  	v12 =	vmul.f32 v12, v6;
	v6 =	vld [tilespmem:s25+$0x2850]  }
0x78: {  	s26 =	sadd.s32 $0x200, s26;
	v11 =	vmul.f32 v11, v7;
	v7 =	vld [tilespmem:s25+$0x2860]  }
0x79: {  	[tilespmem:s25+$0x2800] =	vst v12;
	v5 =	vmul.f32 v5, v10;
	v63 =	vld [tilespmem:s25+$0x2870]  }
0x7a: {  	[tilespmem:s25+$0x2810] =	vst v11;
	v4 =	vmul.f32 v4, v9  }
0x7b: {  	s23 =	sadd.s32 $0x1, s23;
	[tilespmem:s25+$0x2820] =	vst v5;
	v3 =	vmul.f32 v3, v8  }
0x7c: {  	p0 =	sne.s32 s23, $0x20;
	[tilespmem:s25+$0x2830] =	vst v4;
	v2 =	vmul.f32 v2, v6  }
.Ltmp2:
0x7d: {  	[tilespmem:s25+$0x2840] =	vst v3;
	v1 =	vmul.f32 v1, v7;
	(pc) =	sbr.rel @p0 .LBB2_2-.Ltmp2, $4  }
0x7e: {  	[tilespmem:s25+$0x2850] =	vst v2;
	v0 =	vmul.f32 v0, v63  }
0x7f: {  	[tilespmem:s25+$0x2860] =	vst v1  }
0x80: {  	s24 =	sadd.s32 s6, s24;
	[tilespmem:s25+$0x2870] =	vst v0  }
0x81: {  	[hbm4b:s24+s1] =	stream.linear.scatter [tilespmem:s17], [sflag:$0x6], $0x800, $0x38;
	[tilespmem:$0x3000] =	vst v63  }
0x82: {  	s22 =	sadd.s32 $0x1, s22  }
0x83: {  	_ =	swait.ge [sflag:s20], $0x800;
	p0 =	sne.s32 s22, s10  }
.Ltmp3:
0x84: {  	[sflag:s20] =	ssyncset.done $0x0;
	(pc) =	sbr.rel @p0 .LBB2_1-.Ltmp3, $4  }
0x85: {  	[sflag:s20] =	ssyncadd.s32 $0xFFFFF800  }
0x86: {  	_ =	swait.ge [sflag:s21], $0x800  }
0x87: {  	[sflag:s21] =	ssyncset.done $0x0  }
0x88: {  	[sflag:s21] =	ssyncadd.s32 $0xFFFFF800  }
0x89: {  	_ =	sfence.sel $0x180000  }
0x8a: {  	[bflag:$0x0] =	sbarrier.arrive $0xFFFF  }
0x8b: {  	p0 =	sne.s32 s2, $0x0;
	_ =	strace $0x90000047  }
0x8c: {  	s0 =	sadd.s32 @!p0 $0x100000, s0;
	[bflag:$0x2] =	sbarrier.arrive $0xFFFF  }
0x8d: {  	[sflag:s0] =	ssyncadd.tile.s32 @!p0 $0x1;
	_ =	shalt  }
.Lfunc_end2:
_tile_overlayer_lowered:
.L_overlay_start_2:
0x8e: {  	(tag) =	ssettag $0x2  }
0x8f: {  	s0 =	rddreg [dreg:$0x0];
	s2 =	stileid.u32  }
0x90: {  	s1 =	rddreg [dreg:$0x1];
	p0 =	sne.s32 s2, $0x0  }
0x91: {  	s3 =	rddreg [dreg:$0x2];
	[bflag:$0x3] =	sbarrier.arrive $0xFFFF;
	s2 =	simm.s32 @!p0 $0x1C07  }
0x92: {  	[timem:s3], [sflag:s2] =	dma.local @!p0 [hbm:s0], s1  }
0x93: {  	s0 =	simm.s32 @!p0 $0x7  }
0x94: {  	_ =	swait.ge @!p0 [sflag:s0], s1  }
0x95: {  	s1 =	ssub.s32 @!p0 $0x0, s1;
	[sflag:s0] =	ssyncset.done @!p0 $0x0  }
0x96: {  	[sflag:s0] =	ssyncadd.s32 @!p0 s1  }
0x97: {  	[bflag:$0x3] =	sbarrier.arrive $0xFFFF  }
0x98: {  	_ =	shalt  }

</sc_bundles>
